<compile_context>
chip_gen: v7x
topology: tpu7x:2x2x1
jax: 0.10.2.dev20260603
libtpu: 0.0.44.dev20260713+nightly
codegen_flags: <defaults>
</compile_context>

<pallas_src>
import dataclasses

import jax
import jax.numpy as jnp
from jax.experimental import pallas as pl
from jax.experimental.pallas import tpu as pltpu
from jax.experimental.pallas import tpu_sc as plsc


def _sc_compiler_params():
    cp = pltpu.CompilerParams()
    if "needs_layout_passes" in pltpu.CompilerParams.__dataclass_fields__:
        cp = dataclasses.replace(cp, needs_layout_passes=False)
    return cp



_ROWS_PER_TILE = 2048


def _tc_argmin_body(z_ref, e_ref, idx_ref):
    z = z_ref[...]
    e = e_ref[...]
    k = e.shape[0]
    zt = z.T
    zn = jnp.sum(zt * zt, axis=0, keepdims=True)
    en = jnp.sum(e * e, axis=1, keepdims=True)
    p2 = jax.lax.dot_general(
        e * (-2.0), z, (((1,), (1,)), ((), ())),
        preferred_element_type=jnp.float32,
    )
    sub = jax.lax.broadcasted_iota(jnp.int32, (8, p2.shape[1]), 0)
    best_v = (zn + p2[0:8, :]) + en[0:8]
    best_i = sub
    for c in range(1, k // 8):
        vs = (zn + p2[8 * c:8 * (c + 1), :]) + en[8 * c:8 * (c + 1)]
        m = vs < best_v
        best_v = jnp.where(m, vs, best_v)
        best_i = jnp.where(m, sub + (8 * c), best_i)
    minv = jnp.min(best_v, axis=0, keepdims=True)
    sel = jnp.where(best_v == minv, best_i, jnp.int32(2**30))
    idx = jnp.min(sel, axis=0)
    idx_ref[0, 0, :] = idx


def _argmin_indices(z_flat, embedding):
    n, d = z_flat.shape
    k = embedding.shape[0]
    r = _ROWS_PER_TILE
    t = n // r
    out = pl.pallas_call(
        _tc_argmin_body,
        grid=(t,),
        in_specs=[
            pl.BlockSpec((r, d), lambda i: (i, 0)),
            pl.BlockSpec((k, d), lambda i: (0, 0)),
        ],
        out_specs=pl.BlockSpec((1, 1, r), lambda i: (i, 0, 0)),
        out_shape=jax.ShapeDtypeStruct((t, 1, r), jnp.int32),
    )(z_flat, embedding)
    return out.reshape(n)



_GATHER_CHUNK = 128
_SC_WORKERS = 32


def _sc_gather(embedding, indices):
    n = indices.shape[0]
    k, d = embedding.shape
    per_w = n // _SC_WORKERS
    w = 256
    nsteps = per_w // w
    mesh = plsc.VectorSubcoreMesh(core_axis_name="core",
                                  subcore_axis_name="subcore")
    e_pad = jnp.concatenate(
        [embedding, jnp.zeros((k, 128 - d), embedding.dtype)], axis=1)

    @pl.kernel(out_type=jax.ShapeDtypeStruct((n, 128), embedding.dtype),
               mesh=mesh,
               compiler_params=_sc_compiler_params(),
               scratch_types=[
                   pltpu.VMEM((per_w,), jnp.int32),
                   pltpu.VMEM((w, 128), jnp.float32),
                   pltpu.VMEM((w, 128), jnp.float32),
                   pltpu.SemaphoreType.DMA,
                   pltpu.SemaphoreType.DMA,
                   pltpu.SemaphoreType.DMA,
                   pltpu.SemaphoreType.DMA,
               ])
    def gather_kernel(e_hbm, i_hbm, o_hbm, idx_v, rows_a, rows_b,
                      gsem_a, gsem_b, osem_a, osem_b):
        core = jax.lax.axis_index("core")
        sub = jax.lax.axis_index("subcore")
        wid = sub * 2 + core
        base = wid * per_w
        pltpu.sync_copy(i_hbm.at[pl.ds(base, per_w)], idx_v)
        bufs = (rows_a, rows_b)
        gsems = (gsem_a, gsem_b)
        osems = (osem_a, osem_b)
        gat = [None] * nsteps
        wrb = [None] * nsteps
        gat[0] = pltpu.async_copy(e_hbm.at[idx_v.at[pl.ds(0, w)]], bufs[0],
                                  gsems[0])
        for g in range(nsteps):
            if g + 1 < nsteps:
                if g >= 1:
                    wrb[g - 1].wait()
                gat[g + 1] = pltpu.async_copy(
                    e_hbm.at[idx_v.at[pl.ds((g + 1) * w, w)]],
                    bufs[(g + 1) % 2], gsems[(g + 1) % 2])
            gat[g].wait()
            wrb[g] = pltpu.async_copy(
                bufs[g % 2], o_hbm.at[pl.ds(base + g * w, w)], osems[g % 2])
        for g in range(max(0, nsteps - 2), nsteps):
            wrb[g].wait()

    return gather_kernel(e_pad, indices)[:, :d]


_N_CHUNKS = 1


def kernel(z, embedding):
    d = embedding.shape[1]
    z_flat = z.reshape(-1, d)
    n = z_flat.shape[0]
    h = n // _N_CHUNKS
    idxs = []
    zqs = []
    for c in range(_N_CHUNKS):
        idx = _argmin_indices(z_flat[c * h:(c + 1) * h], embedding)
        idxs.append(idx)
        zqs.append(_sc_gather(embedding, idx))
    indices = jnp.concatenate(idxs) if _N_CHUNKS > 1 else idxs[0]
    z_q = jnp.concatenate(zqs) if _N_CHUNKS > 1 else zqs[0]
    return z_q.reshape(z.shape), indices

# --- scband reference (transcript-rebuilt; emitter-appended) ---
"""Pipeline reference for scband-quantizer-51634096832515 (READ-ONLY COPY).

The authoritative reference and input builder live on the scoring server;
editing this copy changes nothing except your own understanding.
"""

import jax, jax.numpy as jnp
import numpy as np


def setup_inputs(seed: int = 0) -> dict:
    key = jax.random.key(seed)
    k1, k2 = jax.random.split(key)
    z = jax.random.normal(k1, (32, 1024, 64), dtype=jnp.float32)
    embedding = jax.random.normal(k2, (1024, 64), dtype=jnp.float32)
    return {"z": z, "embedding": embedding}


def reference(z, embedding):
    embedding_dim = embedding.shape[1]
    z_flat = z.reshape(-1, embedding_dim)
    distances = (
        jnp.sum(z_flat ** 2, axis=1, keepdims=True)
        - 2.0 * (z_flat @ embedding.T)
        + jnp.sum(embedding ** 2, axis=1)
    )
    indices = jnp.argmin(distances, axis=1)
    z_quantized = jnp.take(embedding, indices, axis=0).reshape(z.shape)
    return (z_quantized, indices)

if __name__ == "__main__":
    import jax
    _d = setup_inputs()
    print(jax.jit(kernel)(*tuple(_d.values())))

</pallas_src>

<mosaic_0001>
#map = affine_map<(d0, d1) -> (0, 0)>
#map1 = affine_map<(d0, d1) -> (0)>
module attributes {stable_mosaic.version = 14 : i64} {
  func.func @gather_kernel(%arg0: i32, %arg1: i32, %arg2: memref<1024x128xf32, #tpu.memory_space<hbm>>, %arg3: memref<32768xi32, #tpu.memory_space<hbm>>, %arg4: memref<32768x128xf32, #tpu.memory_space<hbm>>, %arg5: memref<1024xi32, #tpu.memory_space<vmem>>, %arg6: memref<256x128xf32, #tpu.memory_space<vmem>>, %arg7: memref<256x128xf32, #tpu.memory_space<vmem>>, %arg8: memref<!tpu.dma_semaphore, #tpu.memory_space<semaphore_mem>>, %arg9: memref<!tpu.dma_semaphore, #tpu.memory_space<semaphore_mem>>, %arg10: memref<!tpu.dma_semaphore, #tpu.memory_space<semaphore_mem>>, %arg11: memref<!tpu.dma_semaphore, #tpu.memory_space<semaphore_mem>>) attributes {dimension_semantics = [#tpu.dimension_semantics<core_parallel>, #tpu.dimension_semantics<subcore_parallel>], iteration_bounds = array<i64: 2, 16>, scalar_prefetch = 0 : i64, scratch_operands = 7 : i64, tpu.core_type = #tpu.core_type<sc_vector_subcore>, window_params = [{transform_indices = #map}, {transform_indices = #map1}, {transform_indices = #map}]} {
    %mul3A = arith.constant 2 : i32
    %mul3A_0 = arith.muli %arg1, %mul3A : i32
    %add3A = arith.addi %mul3A_0, %arg0 : i32
    %mul3A_1 = arith.constant 1024 : i32
    %mul3A_2 = arith.muli %add3A, %mul3A_1 : i32
    "tpu.region"() ({
      %run_scoped3A = tpu.sem_alloc : memref<!tpu.dma_semaphore, #tpu.memory_space<semaphore_mem>>
      %dma_start3A_81 = tpu.memref_slice %arg3[%mul3A_2] : memref<32768xi32, #tpu.memory_space<hbm>> -> memref<1024xi32, #tpu.memory_space<hbm>>
      %dma_start3A_82 = tpu.memref_slice %arg3[%mul3A_2] : memref<32768xi32, #tpu.memory_space<hbm>> -> memref<1024xi32, #tpu.memory_space<hbm>>
      tpu.enqueue_dma source(%dma_start3A_82 : memref<1024xi32, #tpu.memory_space<hbm>>) target(%arg5 : memref<1024xi32, #tpu.memory_space<vmem>>) target_semaphore(%run_scoped3A : memref<!tpu.dma_semaphore, #tpu.memory_space<semaphore_mem>>)
      %dma_wait3A_83 = tpu.memref_slice %arg3[%mul3A_2] : memref<32768xi32, #tpu.memory_space<hbm>> -> memref<1024xi32, #tpu.memory_space<hbm>>
      %dma_wait3A_84 = tpu.memref_slice %arg3[%mul3A_2] : memref<32768xi32, #tpu.memory_space<hbm>> -> memref<1024xi32, #tpu.memory_space<hbm>>
      tpu.wait_dma2 semaphore(%run_scoped3A : memref<!tpu.dma_semaphore, #tpu.memory_space<semaphore_mem>>) src(%dma_wait3A_84 : memref<1024xi32, #tpu.memory_space<hbm>>) dst(%arg5 : memref<1024xi32, #tpu.memory_space<vmem>>)
      tpu.yield
    }) : () -> ()
    %dma_start3A = arith.constant 0 : i32
    %dma_start3A_3 = tpu.memref_slice %arg5[%dma_start3A] : memref<1024xi32, #tpu.memory_space<vmem>> -> memref<256xi32, #tpu.memory_space<vmem>>
    %dma_start3A_4 = arith.constant 0 : i32
    %dma_start3A_5 = arith.constant 0 : i32
    %dma_start3A_6 = tpu.memref_slice %arg2[%dma_start3A_4, %dma_start3A_5] : memref<1024x128xf32, #tpu.memory_space<hbm>> -> memref<1024x128xf32, #tpu.memory_space<hbm>>
    tpu.enqueue_indirect_dma source(%dma_start3A_6 : memref<1024x128xf32, #tpu.memory_space<hbm>>) target(%arg6 : memref<256x128xf32, #tpu.memory_space<vmem>>) offsets(%dma_start3A_3 : memref<256xi32, #tpu.memory_space<vmem>>) semaphore(%arg8 : memref<!tpu.dma_semaphore, #tpu.memory_space<semaphore_mem>>)
    %dma_start3A_7 = arith.constant 256 : i32
    %dma_start3A_8 = tpu.memref_slice %arg5[%dma_start3A_7] : memref<1024xi32, #tpu.memory_space<vmem>> -> memref<256xi32, #tpu.memory_space<vmem>>
    %dma_start3A_9 = arith.constant 0 : i32
    %dma_start3A_10 = arith.constant 0 : i32
    %dma_start3A_11 = tpu.memref_slice %arg2[%dma_start3A_9, %dma_start3A_10] : memref<1024x128xf32, #tpu.memory_space<hbm>> -> memref<1024x128xf32, #tpu.memory_space<hbm>>
    tpu.enqueue_indirect_dma source(%dma_start3A_11 : memref<1024x128xf32, #tpu.memory_space<hbm>>) target(%arg7 : memref<256x128xf32, #tpu.memory_space<vmem>>) offsets(%dma_start3A_8 : memref<256xi32, #tpu.memory_space<vmem>>) semaphore(%arg9 : memref<!tpu.dma_semaphore, #tpu.memory_space<semaphore_mem>>)
    %dma_wait3A = arith.constant 0 : i32
    %dma_wait3A_12 = tpu.memref_slice %arg5[%dma_wait3A] : memref<1024xi32, #tpu.memory_space<vmem>> -> memref<256xi32, #tpu.memory_space<vmem>>
    %dma_wait3A_13 = arith.constant 0 : i32
    %dma_wait3A_14 = arith.constant 0 : i32
    %dma_wait3A_15 = tpu.memref_slice %arg2[%dma_wait3A_13, %dma_wait3A_14] : memref<1024x128xf32, #tpu.memory_space<hbm>> -> memref<1024x128xf32, #tpu.memory_space<hbm>>
    tpu.wait_indirect_dma semaphore(%arg8 : memref<!tpu.dma_semaphore, #tpu.memory_space<semaphore_mem>>) src(%dma_wait3A_15 : memref<1024x128xf32, #tpu.memory_space<hbm>>) dst(%arg6 : memref<256x128xf32, #tpu.memory_space<vmem>>)
    %add3A_16 = arith.constant 0 : i32
    %add3A_17 = arith.addi %mul3A_2, %add3A_16 : i32
    %dma_start3A_18 = arith.constant 0 : i32
    %dma_start3A_19 = tpu.memref_slice %arg4[%add3A_17, %dma_start3A_18] : memref<32768x128xf32, #tpu.memory_space<hbm>> -> memref<256x128xf32, #tpu.memory_space<hbm>>
    %dma_start3A_20 = arith.constant 0 : i32
    %dma_start3A_21 = tpu.memref_slice %arg4[%add3A_17, %dma_start3A_20] : memref<32768x128xf32, #tpu.memory_space<hbm>> -> memref<256x128xf32, #tpu.memory_space<hbm>>
    tpu.enqueue_dma source(%arg6 : memref<256x128xf32, #tpu.memory_space<vmem>>) target(%dma_start3A_21 : memref<256x128xf32, #tpu.memory_space<hbm>>) target_semaphore(%arg10 : memref<!tpu.dma_semaphore, #tpu.memory_space<semaphore_mem>>)
    %dma_wait3A_22 = arith.constant 0 : i32
    %dma_wait3A_23 = tpu.memref_slice %arg4[%add3A_17, %dma_wait3A_22] : memref<32768x128xf32, #tpu.memory_space<hbm>> -> memref<256x128xf32, #tpu.memory_space<hbm>>
    %dma_wait3A_24 = arith.constant 0 : i32
    %dma_wait3A_25 = tpu.memref_slice %arg4[%add3A_17, %dma_wait3A_24] : memref<32768x128xf32, #tpu.memory_space<hbm>> -> memref<256x128xf32, #tpu.memory_space<hbm>>
    tpu.wait_dma2 semaphore(%arg10 : memref<!tpu.dma_semaphore, #tpu.memory_space<semaphore_mem>>) src(%arg6 : memref<256x128xf32, #tpu.memory_space<vmem>>) dst(%dma_wait3A_25 : memref<256x128xf32, #tpu.memory_space<hbm>>)
    %dma_start3A_26 = arith.constant 512 : i32
    %dma_start3A_27 = tpu.memref_slice %arg5[%dma_start3A_26] : memref<1024xi32, #tpu.memory_space<vmem>> -> memref<256xi32, #tpu.memory_space<vmem>>
    %dma_start3A_28 = arith.constant 0 : i32
    %dma_start3A_29 = arith.constant 0 : i32
    %dma_start3A_30 = tpu.memref_slice %arg2[%dma_start3A_28, %dma_start3A_29] : memref<1024x128xf32, #tpu.memory_space<hbm>> -> memref<1024x128xf32, #tpu.memory_space<hbm>>
    tpu.enqueue_indirect_dma source(%dma_start3A_30 : memref<1024x128xf32, #tpu.memory_space<hbm>>) target(%arg6 : memref<256x128xf32, #tpu.memory_space<vmem>>) offsets(%dma_start3A_27 : memref<256xi32, #tpu.memory_space<vmem>>) semaphore(%arg8 : memref<!tpu.dma_semaphore, #tpu.memory_space<semaphore_mem>>)
    %dma_wait3A_31 = arith.constant 256 : i32
    %dma_wait3A_32 = tpu.memref_slice %arg5[%dma_wait3A_31] : memref<1024xi32, #tpu.memory_space<vmem>> -> memref<256xi32, #tpu.memory_space<vmem>>
    %dma_wait3A_33 = arith.constant 0 : i32
    %dma_wait3A_34 = arith.constant 0 : i32
    %dma_wait3A_35 = tpu.memref_slice %arg2[%dma_wait3A_33, %dma_wait3A_34] : memref<1024x128xf32, #tpu.memory_space<hbm>> -> memref<1024x128xf32, #tpu.memory_space<hbm>>
    tpu.wait_indirect_dma semaphore(%arg9 : memref<!tpu.dma_semaphore, #tpu.memory_space<semaphore_mem>>) src(%dma_wait3A_35 : memref<1024x128xf32, #tpu.memory_space<hbm>>) dst(%arg7 : memref<256x128xf32, #tpu.memory_space<vmem>>)
    %add3A_36 = arith.constant 256 : i32
    %add3A_37 = arith.addi %mul3A_2, %add3A_36 : i32
    %dma_start3A_38 = arith.constant 0 : i32
    %dma_start3A_39 = tpu.memref_slice %arg4[%add3A_37, %dma_start3A_38] : memref<32768x128xf32, #tpu.memory_space<hbm>> -> memref<256x128xf32, #tpu.memory_space<hbm>>
    %dma_start3A_40 = arith.constant 0 : i32
    %dma_start3A_41 = tpu.memref_slice %arg4[%add3A_37, %dma_start3A_40] : memref<32768x128xf32, #tpu.memory_space<hbm>> -> memref<256x128xf32, #tpu.memory_space<hbm>>
    tpu.enqueue_dma source(%arg7 : memref<256x128xf32, #tpu.memory_space<vmem>>) target(%dma_start3A_41 : memref<256x128xf32, #tpu.memory_space<hbm>>) target_semaphore(%arg11 : memref<!tpu.dma_semaphore, #tpu.memory_space<semaphore_mem>>)
    %dma_wait3A_42 = arith.constant 0 : i32
    %dma_wait3A_43 = tpu.memref_slice %arg4[%add3A_37, %dma_wait3A_42] : memref<32768x128xf32, #tpu.memory_space<hbm>> -> memref<256x128xf32, #tpu.memory_space<hbm>>
    %dma_wait3A_44 = arith.constant 0 : i32
    %dma_wait3A_45 = tpu.memref_slice %arg4[%add3A_37, %dma_wait3A_44] : memref<32768x128xf32, #tpu.memory_space<hbm>> -> memref<256x128xf32, #tpu.memory_space<hbm>>
    tpu.wait_dma2 semaphore(%arg11 : memref<!tpu.dma_semaphore, #tpu.memory_space<semaphore_mem>>) src(%arg7 : memref<256x128xf32, #tpu.memory_space<vmem>>) dst(%dma_wait3A_45 : memref<256x128xf32, #tpu.memory_space<hbm>>)
    %dma_start3A_46 = arith.constant 768 : i32
    %dma_start3A_47 = tpu.memref_slice %arg5[%dma_start3A_46] : memref<1024xi32, #tpu.memory_space<vmem>> -> memref<256xi32, #tpu.memory_space<vmem>>
    %dma_start3A_48 = arith.constant 0 : i32
    %dma_start3A_49 = arith.constant 0 : i32
    %dma_start3A_50 = tpu.memref_slice %arg2[%dma_start3A_48, %dma_start3A_49] : memref<1024x128xf32, #tpu.memory_space<hbm>> -> memref<1024x128xf32, #tpu.memory_space<hbm>>
    tpu.enqueue_indirect_dma source(%dma_start3A_50 : memref<1024x128xf32, #tpu.memory_space<hbm>>) target(%arg7 : memref<256x128xf32, #tpu.memory_space<vmem>>) offsets(%dma_start3A_47 : memref<256xi32, #tpu.memory_space<vmem>>) semaphore(%arg9 : memref<!tpu.dma_semaphore, #tpu.memory_space<semaphore_mem>>)
    %dma_wait3A_51 = arith.constant 512 : i32
    %dma_wait3A_52 = tpu.memref_slice %arg5[%dma_wait3A_51] : memref<1024xi32, #tpu.memory_space<vmem>> -> memref<256xi32, #tpu.memory_space<vmem>>
    %dma_wait3A_53 = arith.constant 0 : i32
    %dma_wait3A_54 = arith.constant 0 : i32
    %dma_wait3A_55 = tpu.memref_slice %arg2[%dma_wait3A_53, %dma_wait3A_54] : memref<1024x128xf32, #tpu.memory_space<hbm>> -> memref<1024x128xf32, #tpu.memory_space<hbm>>
    tpu.wait_indirect_dma semaphore(%arg8 : memref<!tpu.dma_semaphore, #tpu.memory_space<semaphore_mem>>) src(%dma_wait3A_55 : memref<1024x128xf32, #tpu.memory_space<hbm>>) dst(%arg6 : memref<256x128xf32, #tpu.memory_space<vmem>>)
    %add3A_56 = arith.constant 512 : i32
    %add3A_57 = arith.addi %mul3A_2, %add3A_56 : i32
    %dma_start3A_58 = arith.constant 0 : i32
    %dma_start3A_59 = tpu.memref_slice %arg4[%add3A_57, %dma_start3A_58] : memref<32768x128xf32, #tpu.memory_space<hbm>> -> memref<256x128xf32, #tpu.memory_space<hbm>>
    %dma_start3A_60 = arith.constant 0 : i32
    %dma_start3A_61 = tpu.memref_slice %arg4[%add3A_57, %dma_start3A_60] : memref<32768x128xf32, #tpu.memory_space<hbm>> -> memref<256x128xf32, #tpu.memory_space<hbm>>
    tpu.enqueue_dma source(%arg6 : memref<256x128xf32, #tpu.memory_space<vmem>>) target(%dma_start3A_61 : memref<256x128xf32, #tpu.memory_space<hbm>>) target_semaphore(%arg10 : memref<!tpu.dma_semaphore, #tpu.memory_space<semaphore_mem>>)
    %dma_wait3A_62 = arith.constant 768 : i32
    %dma_wait3A_63 = tpu.memref_slice %arg5[%dma_wait3A_62] : memref<1024xi32, #tpu.memory_space<vmem>> -> memref<256xi32, #tpu.memory_space<vmem>>
    %dma_wait3A_64 = arith.constant 0 : i32
    %dma_wait3A_65 = arith.constant 0 : i32
    %dma_wait3A_66 = tpu.memref_slice %arg2[%dma_wait3A_64, %dma_wait3A_65] : memref<1024x128xf32, #tpu.memory_space<hbm>> -> memref<1024x128xf32, #tpu.memory_space<hbm>>
    tpu.wait_indirect_dma semaphore(%arg9 : memref<!tpu.dma_semaphore, #tpu.memory_space<semaphore_mem>>) src(%dma_wait3A_66 : memref<1024x128xf32, #tpu.memory_space<hbm>>) dst(%arg7 : memref<256x128xf32, #tpu.memory_space<vmem>>)
    %add3A_67 = arith.constant 768 : i32
    %add3A_68 = arith.addi %mul3A_2, %add3A_67 : i32
    %dma_start3A_69 = arith.constant 0 : i32
    %dma_start3A_70 = tpu.memref_slice %arg4[%add3A_68, %dma_start3A_69] : memref<32768x128xf32, #tpu.memory_space<hbm>> -> memref<256x128xf32, #tpu.memory_space<hbm>>
    %dma_start3A_71 = arith.constant 0 : i32
    %dma_start3A_72 = tpu.memref_slice %arg4[%add3A_68, %dma_start3A_71] : memref<32768x128xf32, #tpu.memory_space<hbm>> -> memref<256x128xf32, #tpu.memory_space<hbm>>
    tpu.enqueue_dma source(%arg7 : memref<256x128xf32, #tpu.memory_space<vmem>>) target(%dma_start3A_72 : memref<256x128xf32, #tpu.memory_space<hbm>>) target_semaphore(%arg11 : memref<!tpu.dma_semaphore, #tpu.memory_space<semaphore_mem>>)
    %dma_wait3A_73 = arith.constant 0 : i32
    %dma_wait3A_74 = tpu.memref_slice %arg4[%add3A_57, %dma_wait3A_73] : memref<32768x128xf32, #tpu.memory_space<hbm>> -> memref<256x128xf32, #tpu.memory_space<hbm>>
    %dma_wait3A_75 = arith.constant 0 : i32
    %dma_wait3A_76 = tpu.memref_slice %arg4[%add3A_57, %dma_wait3A_75] : memref<32768x128xf32, #tpu.memory_space<hbm>> -> memref<256x128xf32, #tpu.memory_space<hbm>>
    tpu.wait_dma2 semaphore(%arg10 : memref<!tpu.dma_semaphore, #tpu.memory_space<semaphore_mem>>) src(%arg6 : memref<256x128xf32, #tpu.memory_space<vmem>>) dst(%dma_wait3A_76 : memref<256x128xf32, #tpu.memory_space<hbm>>)
    %dma_wait3A_77 = arith.constant 0 : i32
    %dma_wait3A_78 = tpu.memref_slice %arg4[%add3A_68, %dma_wait3A_77] : memref<32768x128xf32, #tpu.memory_space<hbm>> -> memref<256x128xf32, #tpu.memory_space<hbm>>
    %dma_wait3A_79 = arith.constant 0 : i32
    %dma_wait3A_80 = tpu.memref_slice %arg4[%add3A_68, %dma_wait3A_79] : memref<32768x128xf32, #tpu.memory_space<hbm>> -> memref<256x128xf32, #tpu.memory_space<hbm>>
    tpu.wait_dma2 semaphore(%arg11 : memref<!tpu.dma_semaphore, #tpu.memory_space<semaphore_mem>>) src(%arg7 : memref<256x128xf32, #tpu.memory_space<vmem>>) dst(%dma_wait3A_80 : memref<256x128xf32, #tpu.memory_space<hbm>>)
    return
  }
}

module attributes {stable_mosaic.version = 14 : i64} {
  func.func @_tc_argmin_body(%arg0: i32, %arg1: memref<2048x64xf32, #tpu.memory_space<vmem>>, %arg2: memref<1024x64xf32, #tpu.memory_space<vmem>>, %arg3: memref<1x1x2048xi32, #tpu.memory_space<vmem>>) attributes {dimension_semantics = [#tpu.dimension_semantics<arbitrary>], iteration_bounds = array<i64: 16>, scalar_prefetch = 0 : i64, scratch_operands = 0 : i64, tpu.core_type = #tpu.core_type<tc>, window_params = [{transform_indices = @transform_0, window_bounds = array<i64: 2048, 64>}, {pipeline_mode = #tpu.pipeline_mode<synchronous>, transform_indices = @transform_1, window_bounds = array<i64: 1024, 64>}, {transform_indices = @transform_2, window_bounds = array<i64: 1, 1, 2048>}]} {
    %get3A = arith.constant 0 : index
    %get3A_0 = arith.constant 0 : index
    %get3A_1 = vector.load %arg1[%get3A, %get3A_0] : memref<2048x64xf32, #tpu.memory_space<vmem>>, vector<2048x64xf32>
    %get3A_2 = arith.constant 0 : index
    %get3A_3 = arith.constant 0 : index
    %get3A_4 = vector.load %arg2[%get3A_2, %get3A_3] : memref<1024x64xf32, #tpu.memory_space<vmem>>, vector<1024x64xf32>
    %transpose3A = tpu.transpose %get3A_1, [1, 0] : vector<2048x64xf32> -> vector<64x2048xf32>
    %mul3A = arith.mulf %transpose3A, %transpose3A : vector<64x2048xf32>
    %reduce_sum3A = arith.constant dense<0.000000e+00> : vector<2048xf32>
    %reduce_sum3A_5 = vector.multi_reduction <add>, %mul3A, %reduce_sum3A [0] : vector<64x2048xf32> to vector<2048xf32>
    %broadcast_in_dim3A = vector.shape_cast %reduce_sum3A_5 : vector<2048xf32> to vector<1x2048xf32>
    %mul3A_6 = arith.mulf %get3A_4, %get3A_4 : vector<1024x64xf32>
    %reduce_sum3A_7 = arith.constant dense<0.000000e+00> : vector<1024xf32>
    %reduce_sum3A_8 = vector.multi_reduction <add>, %mul3A_6, %reduce_sum3A_7 [1] : vector<1024x64xf32> to vector<1024xf32>
    %broadcast_in_dim3A_9 = vector.shape_cast %reduce_sum3A_8 : vector<1024xf32> to vector<1024x1xf32>
    %mul3A_10 = arith.constant -2.000000e+00 : f32
    %mul3A_11 = vector.broadcast %mul3A_10 : f32 to vector<1024x64xf32>
    %mul3A_12 = arith.mulf %get3A_4, %mul3A_11 : vector<1024x64xf32>
    %dot_general3A = arith.constant dense<0.000000e+00> : vector<1024x2048xf32>
    %dot_general3A_13 = tpu.matmul %mul3A_12, %get3A_1, %dot_general3A {dimension_numbers = #tpu.dot_dimension_numbers<[1], [1], [0], [0], [0, 0, 1, 0], [], []>, transpose_lhs_hint = false} : vector<1024x64xf32>, vector<2048x64xf32>, vector<1024x2048xf32> -> vector<1024x2048xf32>
    %iota3A = tpu.iota {dimensions = array<i32: 0>} : vector<8x2048xi32>
    %slice3A = vector.extract_strided_slice %dot_general3A_13 {offsets = [0, 0], sizes = [8, 2048], strides = [1, 1]} : vector<1024x2048xf32> to vector<8x2048xf32>
    %add3A = vector.broadcast %broadcast_in_dim3A : vector<1x2048xf32> to vector<8x2048xf32>
    %add3A_14 = arith.addf %add3A, %slice3A : vector<8x2048xf32>
    %slice3A_15 = vector.extract_strided_slice %broadcast_in_dim3A_9 {offsets = [0, 0], sizes = [8, 1], strides = [1, 1]} : vector<1024x1xf32> to vector<8x1xf32>
    %add3A_16 = vector.broadcast %slice3A_15 : vector<8x1xf32> to vector<8x2048xf32>
    %add3A_17 = arith.addf %add3A_14, %add3A_16 : vector<8x2048xf32>
    %slice3A_18 = vector.extract_strided_slice %dot_general3A_13 {offsets = [8, 0], sizes = [8, 2048], strides = [1, 1]} : vector<1024x2048xf32> to vector<8x2048xf32>
    %add3A_19 = vector.broadcast %broadcast_in_dim3A : vector<1x2048xf32> to vector<8x2048xf32>
    %add3A_20 = arith.addf %add3A_19, %slice3A_18 : vector<8x2048xf32>
    %slice3A_21 = vector.extract_strided_slice %broadcast_in_dim3A_9 {offsets = [8, 0], sizes = [8, 1], strides = [1, 1]} : vector<1024x1xf32> to vector<8x1xf32>
    %add3A_22 = vector.broadcast %slice3A_21 : vector<8x1xf32> to vector<8x2048xf32>
    %add3A_23 = arith.addf %add3A_20, %add3A_22 : vector<8x2048xf32>
    %lt3A = arith.cmpf olt, %add3A_23, %add3A_17 : vector<8x2048xf32>
    %select_n3A = arith.select %lt3A, %add3A_23, %add3A_17 : vector<8x2048xi1>, vector<8x2048xf32>
    %add3A_24 = arith.constant 8 : i32
    %add3A_25 = vector.broadcast %add3A_24 : i32 to vector<8x2048xi32>
    %add3A_26 = arith.addi %iota3A, %add3A_25 : vector<8x2048xi32>
    %select_n3A_27 = arith.select %lt3A, %add3A_26, %iota3A : vector<8x2048xi1>, vector<8x2048xi32>
    %slice3A_28 = vector.extract_strided_slice %dot_general3A_13 {offsets = [16, 0], sizes = [8, 2048], strides = [1, 1]} : vector<1024x2048xf32> to vector<8x2048xf32>
    %add3A_29 = vector.broadcast %broadcast_in_dim3A : vector<1x2048xf32> to vector<8x2048xf32>
    %add3A_30 = arith.addf %add3A_29, %slice3A_28 : vector<8x2048xf32>
    %slice3A_31 = vector.extract_strided_slice %broadcast_in_dim3A_9 {offsets = [16, 0], sizes = [8, 1], strides = [1, 1]} : vector<1024x1xf32> to vector<8x1xf32>
    %add3A_32 = vector.broadcast %slice3A_31 : vector<8x1xf32> to vector<8x2048xf32>
    %add3A_33 = arith.addf %add3A_30, %add3A_32 : vector<8x2048xf32>
    %lt3A_34 = arith.cmpf olt, %add3A_33, %select_n3A : vector<8x2048xf32>
    %select_n3A_35 = arith.select %lt3A_34, %add3A_33, %select_n3A : vector<8x2048xi1>, vector<8x2048xf32>
    %add3A_36 = arith.constant 16 : i32
    %add3A_37 = vector.broadcast %add3A_36 : i32 to vector<8x2048xi32>
    %add3A_38 = arith.addi %iota3A, %add3A_37 : vector<8x2048xi32>
    %select_n3A_39 = arith.select %lt3A_34, %add3A_38, %select_n3A_27 : vector<8x2048xi1>, vector<8x2048xi32>
    %slice3A_40 = vector.extract_strided_slice %dot_general3A_13 {offsets = [24, 0], sizes = [8, 2048], strides = [1, 1]} : vector<1024x2048xf32> to vector<8x2048xf32>
    %add3A_41 = vector.broadcast %broadcast_in_dim3A : vector<1x2048xf32> to vector<8x2048xf32>
    %add3A_42 = arith.addf %add3A_41, %slice3A_40 : vector<8x2048xf32>
    %slice3A_43 = vector.extract_strided_slice %broadcast_in_dim3A_9 {offsets = [24, 0], sizes = [8, 1], strides = [1, 1]} : vector<1024x1xf32> to vector<8x1xf32>
    %add3A_44 = vector.broadcast %slice3A_43 : vector<8x1xf32> to vector<8x2048xf32>
    %add3A_45 = arith.addf %add3A_42, %add3A_44 : vector<8x2048xf32>
    %lt3A_46 = arith.cmpf olt, %add3A_45, %select_n3A_35 : vector<8x2048xf32>
    %select_n3A_47 = arith.select %lt3A_46, %add3A_45, %select_n3A_35 : vector<8x2048xi1>, vector<8x2048xf32>
    %add3A_48 = arith.constant 24 : i32
    %add3A_49 = vector.broadcast %add3A_48 : i32 to vector<8x2048xi32>
    %add3A_50 = arith.addi %iota3A, %add3A_49 : vector<8x2048xi32>
    %select_n3A_51 = arith.select %lt3A_46, %add3A_50, %select_n3A_39 : vector<8x2048xi1>, vector<8x2048xi32>
    %slice3A_52 = vector.extract_strided_slice %dot_general3A_13 {offsets = [32, 0], sizes = [8, 2048], strides = [1, 1]} : vector<1024x2048xf32> to vector<8x2048xf32>
    %add3A_53 = vector.broadcast %broadcast_in_dim3A : vector<1x2048xf32> to vector<8x2048xf32>
    %add3A_54 = arith.addf %add3A_53, %slice3A_52 : vector<8x2048xf32>
    %slice3A_55 = vector.extract_strided_slice %broadcast_in_dim3A_9 {offsets = [32, 0], sizes = [8, 1], strides = [1, 1]} : vector<1024x1xf32> to vector<8x1xf32>
    %add3A_56 = vector.broadcast %slice3A_55 : vector<8x1xf32> to vector<8x2048xf32>
    %add3A_57 = arith.addf %add3A_54, %add3A_56 : vector<8x2048xf32>
    %lt3A_58 = arith.cmpf olt, %add3A_57, %select_n3A_47 : vector<8x2048xf32>
    %select_n3A_59 = arith.select %lt3A_58, %add3A_57, %select_n3A_47 : vector<8x2048xi1>, vector<8x2048xf32>
    %add3A_60 = arith.constant 32 : i32
    %add3A_61 = vector.broadcast %add3A_60 : i32 to vector<8x2048xi32>
    %add3A_62 = arith.addi %iota3A, %add3A_61 : vector<8x2048xi32>
    %select_n3A_63 = arith.select %lt3A_58, %add3A_62, %select_n3A_51 : vector<8x2048xi1>, vector<8x2048xi32>
    %slice3A_64 = vector.extract_strided_slice %dot_general3A_13 {offsets = [40, 0], sizes = [8, 2048], strides = [1, 1]} : vector<1024x2048xf32> to vector<8x2048xf32>
    %add3A_65 = vector.broadcast %broadcast_in_dim3A : vector<1x2048xf32> to vector<8x2048xf32>
    %add3A_66 = arith.addf %add3A_65, %slice3A_64 : vector<8x2048xf32>
    %slice3A_67 = vector.extract_strided_slice %broadcast_in_dim3A_9 {offsets = [40, 0], sizes = [8, 1], strides = [1, 1]} : vector<1024x1xf32> to vector<8x1xf32>
    %add3A_68 = vector.broadcast %slice3A_67 : vector<8x1xf32> to vector<8x2048xf32>
    %add3A_69 = arith.addf %add3A_66, %add3A_68 : vector<8x2048xf32>
    %lt3A_70 = arith.cmpf olt, %add3A_69, %select_n3A_59 : vector<8x2048xf32>
    %select_n3A_71 = arith.select %lt3A_70, %add3A_69, %select_n3A_59 : vector<8x2048xi1>, vector<8x2048xf32>
    %add3A_72 = arith.constant 40 : i32
    %add3A_73 = vector.broadcast %add3A_72 : i32 to vector<8x2048xi32>
    %add3A_74 = arith.addi %iota3A, %add3A_73 : vector<8x2048xi32>
    %select_n3A_75 = arith.select %lt3A_70, %add3A_74, %select_n3A_63 : vector<8x2048xi1>, vector<8x2048xi32>
    %slice3A_76 = vector.extract_strided_slice %dot_general3A_13 {offsets = [48, 0], sizes = [8, 2048], strides = [1, 1]} : vector<1024x2048xf32> to vector<8x2048xf32>
    %add3A_77 = vector.broadcast %broadcast_in_dim3A : vector<1x2048xf32> to vector<8x2048xf32>
    %add3A_78 = arith.addf %add3A_77, %slice3A_76 : vector<8x2048xf32>
    %slice3A_79 = vector.extract_strided_slice %broadcast_in_dim3A_9 {offsets = [48, 0], sizes = [8, 1], strides = [1, 1]} : vector<1024x1xf32> to vector<8x1xf32>
    %add3A_80 = vector.broadcast %slice3A_79 : vector<8x1xf32> to vector<8x2048xf32>
    %add3A_81 = arith.addf %add3A_78, %add3A_80 : vector<8x2048xf32>
    %lt3A_82 = arith.cmpf olt, %add3A_81, %select_n3A_71 : vector<8x2048xf32>
    %select_n3A_83 = arith.select %lt3A_82, %add3A_81, %select_n3A_71 : vector<8x2048xi1>, vector<8x2048xf32>
    %add3A_84 = arith.constant 48 : i32
    %add3A_85 = vector.broadcast %add3A_84 : i32 to vector<8x2048xi32>
    %add3A_86 = arith.addi %iota3A, %add3A_85 : vector<8x2048xi32>
    %select_n3A_87 = arith.select %lt3A_82, %add3A_86, %select_n3A_75 : vector<8x2048xi1>, vector<8x2048xi32>
    %slice3A_88 = vector.extract_strided_slice %dot_general3A_13 {offsets = [56, 0], sizes = [8, 2048], strides = [1, 1]} : vector<1024x2048xf32> to vector<8x2048xf32>
    %add3A_89 = vector.broadcast %broadcast_in_dim3A : vector<1x2048xf32> to vector<8x2048xf32>
    %add3A_90 = arith.addf %add3A_89, %slice3A_88 : vector<8x2048xf32>
    %slice3A_91 = vector.extract_strided_slice %broadcast_in_dim3A_9 {offsets = [56, 0], sizes = [8, 1], strides = [1, 1]} : vector<1024x1xf32> to vector<8x1xf32>
    %add3A_92 = vector.broadcast %slice3A_91 : vector<8x1xf32> to vector<8x2048xf32>
    %add3A_93 = arith.addf %add3A_90, %add3A_92 : vector<8x2048xf32>
    %lt3A_94 = arith.cmpf olt, %add3A_93, %select_n3A_83 : vector<8x2048xf32>
    %select_n3A_95 = arith.select %lt3A_94, %add3A_93, %select_n3A_83 : vector<8x2048xi1>, vector<8x2048xf32>
    %add3A_96 = arith.constant 56 : i32
    %add3A_97 = vector.broadcast %add3A_96 : i32 to vector<8x2048xi32>
    %add3A_98 = arith.addi %iota3A, %add3A_97 : vector<8x2048xi32>
    %select_n3A_99 = arith.select %lt3A_94, %add3A_98, %select_n3A_87 : vector<8x2048xi1>, vector<8x2048xi32>
    %slice3A_100 = vector.extract_strided_slice %dot_general3A_13 {offsets = [64, 0], sizes = [8, 2048], strides = [1, 1]} : vector<1024x2048xf32> to vector<8x2048xf32>
    %add3A_101 = vector.broadcast %broadcast_in_dim3A : vector<1x2048xf32> to vector<8x2048xf32>
    %add3A_102 = arith.addf %add3A_101, %slice3A_100 : vector<8x2048xf32>
    %slice3A_103 = vector.extract_strided_slice %broadcast_in_dim3A_9 {offsets = [64, 0], sizes = [8, 1], strides = [1, 1]} : vector<1024x1xf32> to vector<8x1xf32>
    %add3A_104 = vector.broadcast %slice3A_103 : vector<8x1xf32> to vector<8x2048xf32>
    %add3A_105 = arith.addf %add3A_102, %add3A_104 : vector<8x2048xf32>
    %lt3A_106 = arith.cmpf olt, %add3A_105, %select_n3A_95 : vector<8x2048xf32>
    %select_n3A_107 = arith.select %lt3A_106, %add3A_105, %select_n3A_95 : vector<8x2048xi1>, vector<8x2048xf32>
    %add3A_108 = arith.constant 64 : i32
    %add3A_109 = vector.broadcast %add3A_108 : i32 to vector<8x2048xi32>
    %add3A_110 = arith.addi %iota3A, %add3A_109 : vector<8x2048xi32>
    %select_n3A_111 = arith.select %lt3A_106, %add3A_110, %select_n3A_99 : vector<8x2048xi1>, vector<8x2048xi32>
    %slice3A_112 = vector.extract_strided_slice %dot_general3A_13 {offsets = [72, 0], sizes = [8, 2048], strides = [1, 1]} : vector<1024x2048xf32> to vector<8x2048xf32>
    %add3A_113 = vector.broadcast %broadcast_in_dim3A : vector<1x2048xf32> to vector<8x2048xf32>
    %add3A_114 = arith.addf %add3A_113, %slice3A_112 : vector<8x2048xf32>
    %slice3A_115 = vector.extract_strided_slice %broadcast_in_dim3A_9 {offsets = [72, 0], sizes = [8, 1], strides = [1, 1]} : vector<1024x1xf32> to vector<8x1xf32>
    %add3A_116 = vector.broadcast %slice3A_115 : vector<8x1xf32> to vector<8x2048xf32>
    %add3A_117 = arith.addf %add3A_114, %add3A_116 : vector<8x2048xf32>
    %lt3A_118 = arith.cmpf olt, %add3A_117, %select_n3A_107 : vector<8x2048xf32>
    %select_n3A_119 = arith.select %lt3A_118, %add3A_117, %select_n3A_107 : vector<8x2048xi1>, vector<8x2048xf32>
    %add3A_120 = arith.constant 72 : i32
    %add3A_121 = vector.broadcast %add3A_120 : i32 to vector<8x2048xi32>
    %add3A_122 = arith.addi %iota3A, %add3A_121 : vector<8x2048xi32>
    %select_n3A_123 = arith.select %lt3A_118, %add3A_122, %select_n3A_111 : vector<8x2048xi1>, vector<8x2048xi32>
    %slice3A_124 = vector.extract_strided_slice %dot_general3A_13 {offsets = [80, 0], sizes = [8, 2048], strides = [1, 1]} : vector<1024x2048xf32> to vector<8x2048xf32>
    %add3A_125 = vector.broadcast %broadcast_in_dim3A : vector<1x2048xf32> to vector<8x2048xf32>
    %add3A_126 = arith.addf %add3A_125, %slice3A_124 : vector<8x2048xf32>
    %slice3A_127 = vector.extract_strided_slice %broadcast_in_dim3A_9 {offsets = [80, 0], sizes = [8, 1], strides = [1, 1]} : vector<1024x1xf32> to vector<8x1xf32>
    %add3A_128 = vector.broadcast %slice3A_127 : vector<8x1xf32> to vector<8x2048xf32>
    %add3A_129 = arith.addf %add3A_126, %add3A_128 : vector<8x2048xf32>
    %lt3A_130 = arith.cmpf olt, %add3A_129, %select_n3A_119 : vector<8x2048xf32>
    %select_n3A_131 = arith.select %lt3A_130, %add3A_129, %select_n3A_119 : vector<8x2048xi1>, vector<8x2048xf32>
    %add3A_132 = arith.constant 80 : i32
    %add3A_133 = vector.broadcast %add3A_132 : i32 to vector<8x2048xi32>
    %add3A_134 = arith.addi %iota3A, %add3A_133 : vector<8x2048xi32>
    %select_n3A_135 = arith.select %lt3A_130, %add3A_134, %select_n3A_123 : vector<8x2048xi1>, vector<8x2048xi32>
    %slice3A_136 = vector.extract_strided_slice %dot_general3A_13 {offsets = [88, 0], sizes = [8, 2048], strides = [1, 1]} : vector<1024x2048xf32> to vector<8x2048xf32>
    %add3A_137 = vector.broadcast %broadcast_in_dim3A : vector<1x2048xf32> to vector<8x2048xf32>
    %add3A_138 = arith.addf %add3A_137, %slice3A_136 : vector<8x2048xf32>
    %slice3A_139 = vector.extract_strided_slice %broadcast_in_dim3A_9 {offsets = [88, 0], sizes = [8, 1], strides = [1, 1]} : vector<1024x1xf32> to vector<8x1xf32>
    %add3A_140 = vector.broadcast %slice3A_139 : vector<8x1xf32> to vector<8x2048xf32>
    %add3A_141 = arith.addf %add3A_138, %add3A_140 : vector<8x2048xf32>
    %lt3A_142 = arith.cmpf olt, %add3A_141, %select_n3A_131 : vector<8x2048xf32>
    %select_n3A_143 = arith.select %lt3A_142, %add3A_141, %select_n3A_131 : vector<8x2048xi1>, vector<8x2048xf32>
    %add3A_144 = arith.constant 88 : i32
    %add3A_145 = vector.broadcast %add3A_144 : i32 to vector<8x2048xi32>
    %add3A_146 = arith.addi %iota3A, %add3A_145 : vector<8x2048xi32>
    %select_n3A_147 = arith.select %lt3A_142, %add3A_146, %select_n3A_135 : vector<8x2048xi1>, vector<8x2048xi32>
    %slice3A_148 = vector.extract_strided_slice %dot_general3A_13 {offsets = [96, 0], sizes = [8, 2048], strides = [1, 1]} : vector<1024x2048xf32> to vector<8x2048xf32>
    %add3A_149 = vector.broadcast %broadcast_in_dim3A : vector<1x2048xf32> to vector<8x2048xf32>
    %add3A_150 = arith.addf %add3A_149, %slice3A_148 : vector<8x2048xf32>
    %slice3A_151 = vector.extract_strided_slice %broadcast_in_dim3A_9 {offsets = [96, 0], sizes = [8, 1], strides = [1, 1]} : vector<1024x1xf32> to vector<8x1xf32>
    %add3A_152 = vector.broadcast %slice3A_151 : vector<8x1xf32> to vector<8x2048xf32>
    %add3A_153 = arith.addf %add3A_150, %add3A_152 : vector<8x2048xf32>
    %lt3A_154 = arith.cmpf olt, %add3A_153, %select_n3A_143 : vector<8x2048xf32>
    %select_n3A_155 = arith.select %lt3A_154, %add3A_153, %select_n3A_143 : vector<8x2048xi1>, vector<8x2048xf32>
    %add3A_156 = arith.constant 96 : i32
    %add3A_157 = vector.broadcast %add3A_156 : i32 to vector<8x2048xi32>
    %add3A_158 = arith.addi %iota3A, %add3A_157 : vector<8x2048xi32>
    %select_n3A_159 = arith.select %lt3A_154, %add3A_158, %select_n3A_147 : vector<8x2048xi1>, vector<8x2048xi32>
    %slice3A_160 = vector.extract_strided_slice %dot_general3A_13 {offsets = [104, 0], sizes = [8, 2048], strides = [1, 1]} : vector<1024x2048xf32> to vector<8x2048xf32>
    %add3A_161 = vector.broadcast %broadcast_in_dim3A : vector<1x2048xf32> to vector<8x2048xf32>
    %add3A_162 = arith.addf %add3A_161, %slice3A_160 : vector<8x2048xf32>
    %slice3A_163 = vector.extract_strided_slice %broadcast_in_dim3A_9 {offsets = [104, 0], sizes = [8, 1], strides = [1, 1]} : vector<1024x1xf32> to vector<8x1xf32>
    %add3A_164 = vector.broadcast %slice3A_163 : vector<8x1xf32> to vector<8x2048xf32>
    %add3A_165 = arith.addf %add3A_162, %add3A_164 : vector<8x2048xf32>
    %lt3A_166 = arith.cmpf olt, %add3A_165, %select_n3A_155 : vector<8x2048xf32>
    %select_n3A_167 = arith.select %lt3A_166, %add3A_165, %select_n3A_155 : vector<8x2048xi1>, vector<8x2048xf32>
    %add3A_168 = arith.constant 104 : i32
    %add3A_169 = vector.broadcast %add3A_168 : i32 to vector<8x2048xi32>
    %add3A_170 = arith.addi %iota3A, %add3A_169 : vector<8x2048xi32>
    %select_n3A_171 = arith.select %lt3A_166, %add3A_170, %select_n3A_159 : vector<8x2048xi1>, vector<8x2048xi32>
    %slice3A_172 = vector.extract_strided_slice %dot_general3A_13 {offsets = [112, 0], sizes = [8, 2048], strides = [1, 1]} : vector<1024x2048xf32> to vector<8x2048xf32>
    %add3A_173 = vector.broadcast %broadcast_in_dim3A : vector<1x2048xf32> to vector<8x2048xf32>
    %add3A_174 = arith.addf %add3A_173, %slice3A_172 : vector<8x2048xf32>
    %slice3A_175 = vector.extract_strided_slice %broadcast_in_dim3A_9 {offsets = [112, 0], sizes = [8, 1], strides = [1, 1]} : vector<1024x1xf32> to vector<8x1xf32>
    %add3A_176 = vector.broadcast %slice3A_175 : vector<8x1xf32> to vector<8x2048xf32>
    %add3A_177 = arith.addf %add3A_174, %add3A_176 : vector<8x2048xf32>
    %lt3A_178 = arith.cmpf olt, %add3A_177, %select_n3A_167 : vector<8x2048xf32>
    %select_n3A_179 = arith.select %lt3A_178, %add3A_177, %select_n3A_167 : vector<8x2048xi1>, vector<8x2048xf32>
    %add3A_180 = arith.constant 112 : i32
    %add3A_181 = vector.broadcast %add3A_180 : i32 to vector<8x2048xi32>
    %add3A_182 = arith.addi %iota3A, %add3A_181 : vector<8x2048xi32>
    %select_n3A_183 = arith.select %lt3A_178, %add3A_182, %select_n3A_171 : vector<8x2048xi1>, vector<8x2048xi32>
    %slice3A_184 = vector.extract_strided_slice %dot_general3A_13 {offsets = [120, 0], sizes = [8, 2048], strides = [1, 1]} : vector<1024x2048xf32> to vector<8x2048xf32>
    %add3A_185 = vector.broadcast %broadcast_in_dim3A : vector<1x2048xf32> to vector<8x2048xf32>
    %add3A_186 = arith.addf %add3A_185, %slice3A_184 : vector<8x2048xf32>
    %slice3A_187 = vector.extract_strided_slice %broadcast_in_dim3A_9 {offsets = [120, 0], sizes = [8, 1], strides = [1, 1]} : vector<1024x1xf32> to vector<8x1xf32>
    %add3A_188 = vector.broadcast %slice3A_187 : vector<8x1xf32> to vector<8x2048xf32>
    %add3A_189 = arith.addf %add3A_186, %add3A_188 : vector<8x2048xf32>
    %lt3A_190 = arith.cmpf olt, %add3A_189, %select_n3A_179 : vector<8x2048xf32>
    %select_n3A_191 = arith.select %lt3A_190, %add3A_189, %select_n3A_179 : vector<8x2048xi1>, vector<8x2048xf32>
    %add3A_192 = arith.constant 120 : i32
    %add3A_193 = vector.broadcast %add3A_192 : i32 to vector<8x2048xi32>
    %add3A_194 = arith.addi %iota3A, %add3A_193 : vector<8x2048xi32>
    %select_n3A_195 = arith.select %lt3A_190, %add3A_194, %select_n3A_183 : vector<8x2048xi1>, vector<8x2048xi32>
    %slice3A_196 = vector.extract_strided_slice %dot_general3A_13 {offsets = [128, 0], sizes = [8, 2048], strides = [1, 1]} : vector<1024x2048xf32> to vector<8x2048xf32>
    %add3A_197 = vector.broadcast %broadcast_in_dim3A : vector<1x2048xf32> to vector<8x2048xf32>
    %add3A_198 = arith.addf %add3A_197, %slice3A_196 : vector<8x2048xf32>
    %slice3A_199 = vector.extract_strided_slice %broadcast_in_dim3A_9 {offsets = [128, 0], sizes = [8, 1], strides = [1, 1]} : vector<1024x1xf32> to vector<8x1xf32>
    %add3A_200 = vector.broadcast %slice3A_199 : vector<8x1xf32> to vector<8x2048xf32>
    %add3A_201 = arith.addf %add3A_198, %add3A_200 : vector<8x2048xf32>
    %lt3A_202 = arith.cmpf olt, %add3A_201, %select_n3A_191 : vector<8x2048xf32>
    %select_n3A_203 = arith.select %lt3A_202, %add3A_201, %select_n3A_191 : vector<8x2048xi1>, vector<8x2048xf32>
    %add3A_204 = arith.constant 128 : i32
    %add3A_205 = vector.broadcast %add3A_204 : i32 to vector<8x2048xi32>
    %add3A_206 = arith.addi %iota3A, %add3A_205 : vector<8x2048xi32>
    %select_n3A_207 = arith.select %lt3A_202, %add3A_206, %select_n3A_195 : vector<8x2048xi1>, vector<8x2048xi32>
    %slice3A_208 = vector.extract_strided_slice %dot_general3A_13 {offsets = [136, 0], sizes = [8, 2048], strides = [1, 1]} : vector<1024x2048xf32> to vector<8x2048xf32>
    %add3A_209 = vector.broadcast %broadcast_in_dim3A : vector<1x2048xf32> to vector<8x2048xf32>
    %add3A_210 = arith.addf %add3A_209, %slice3A_208 : vector<8x2048xf32>
    %slice3A_211 = vector.extract_strided_slice %broadcast_in_dim3A_9 {offsets = [136, 0], sizes = [8, 1], strides = [1, 1]} : vector<1024x1xf32> to vector<8x1xf32>
    %add3A_212 = vector.broadcast %slice3A_211 : vector<8x1xf32> to vector<8x2048xf32>
    %add3A_213 = arith.addf %add3A_210, %add3A_212 : vector<8x2048xf32>
    %lt3A_214 = arith.cmpf olt, %add3A_213, %select_n3A_203 : vector<8x2048xf32>
    %select_n3A_215 = arith.select %lt3A_214, %add3A_213, %select_n3A_203 : vector<8x2048xi1>, vector<8x2048xf32>
    %add3A_216 = arith.constant 136 : i32
    %add3A_217 = vector.broadcast %add3A_216 : i32 to vector<8x2048xi32>
    %add3A_218 = arith.addi %iota3A, %add3A_217 : vector<8x2048xi32>
    %select_n3A_219 = arith.select %lt3A_214, %add3A_218, %select_n3A_207 : vector<8x2048xi1>, vector<8x2048xi32>
    %slice3A_220 = vector.extract_strided_slice %dot_general3A_13 {offsets = [144, 0], sizes = [8, 2048], strides = [1, 1]} : vector<1024x2048xf32> to vector<8x2048xf32>
    %add3A_221 = vector.broadcast %broadcast_in_dim3A : vector<1x2048xf32> to vector<8x2048xf32>
    %add3A_222 = arith.addf %add3A_221, %slice3A_220 : vector<8x2048xf32>
    %slice3A_223 = vector.extract_strided_slice %broadcast_in_dim3A_9 {offsets = [144, 0], sizes = [8, 1], strides = [1, 1]} : vector<1024x1xf32> to vector<8x1xf32>
    %add3A_224 = vector.broadcast %slice3A_223 : vector<8x1xf32> to vector<8x2048xf32>
    %add3A_225 = arith.addf %add3A_222, %add3A_224 : vector<8x2048xf32>
    %lt3A_226 = arith.cmpf olt, %add3A_225, %select_n3A_215 : vector<8x2048xf32>
    %select_n3A_227 = arith.select %lt3A_226, %add3A_225, %select_n3A_215 : vector<8x2048xi1>, vector<8x2048xf32>
    %add3A_228 = arith.constant 144 : i32
    %add3A_229 = vector.broadcast %add3A_228 : i32 to vector<8x2048xi32>
    %add3A_230 = arith.addi %iota3A, %add3A_229 : vector<8x2048xi32>
    %select_n3A_231 = arith.select %lt3A_226, %add3A_230, %select_n3A_219 : vector<8x2048xi1>, vector<8x2048xi32>
    %slice3A_232 = vector.extract_strided_slice %dot_general3A_13 {offsets = [152, 0], sizes = [8, 2048], strides = [1, 1]} : vector<1024x2048xf32> to vector<8x2048xf32>
    %add3A_233 = vector.broadcast %broadcast_in_dim3A : vector<1x2048xf32> to vector<8x2048xf32>
    %add3A_234 = arith.addf %add3A_233, %slice3A_232 : vector<8x2048xf32>
    %slice3A_235 = vector.extract_strided_slice %broadcast_in_dim3A_9 {offsets = [152, 0], sizes = [8, 1], strides = [1, 1]} : vector<1024x1xf32> to vector<8x1xf32>
    %add3A_236 = vector.broadcast %slice3A_235 : vector<8x1xf32> to vector<8x2048xf32>
    %add3A_237 = arith.addf %add3A_234, %add3A_236 : vector<8x2048xf32>
    %lt3A_238 = arith.cmpf olt, %add3A_237, %select_n3A_227 : vector<8x2048xf32>
    %select_n3A_239 = arith.select %lt3A_238, %add3A_237, %select_n3A_227 : vector<8x2048xi1>, vector<8x2048xf32>
    %add3A_240 = arith.constant 152 : i32
    %add3A_241 = vector.broadcast %add3A_240 : i32 to vector<8x2048xi32>
    %add3A_242 = arith.addi %iota3A, %add3A_241 : vector<8x2048xi32>
    %select_n3A_243 = arith.select %lt3A_238, %add3A_242, %select_n3A_231 : vector<8x2048xi1>, vector<8x2048xi32>
    %slice3A_244 = vector.extract_strided_slice %dot_general3A_13 {offsets = [160, 0], sizes = [8, 2048], strides = [1, 1]} : vector<1024x2048xf32> to vector<8x2048xf32>
    %add3A_245 = vector.broadcast %broadcast_in_dim3A : vector<1x2048xf32> to vector<8x2048xf32>
    %add3A_246 = arith.addf %add3A_245, %slice3A_244 : vector<8x2048xf32>
    %slice3A_247 = vector.extract_strided_slice %broadcast_in_dim3A_9 {offsets = [160, 0], sizes = [8, 1], strides = [1, 1]} : vector<1024x1xf32> to vector<8x1xf32>
    %add3A_248 = vector.broadcast %slice3A_247 : vector<8x1xf32> to vector<8x2048xf32>
    %add3A_249 = arith.addf %add3A_246, %add3A_248 : vector<8x2048xf32>
    %lt3A_250 = arith.cmpf olt, %add3A_249, %select_n3A_239 : vector<8x2048xf32>
    %select_n3A_251 = arith.select %lt3A_250, %add3A_249, %select_n3A_239 : vector<8x2048xi1>, vector<8x2048xf32>
    %add3A_252 = arith.constant 160 : i32
    %add3A_253 = vector.broadcast %add3A_252 : i32 to vector<8x2048xi32>
    %add3A_254 = arith.addi %iota3A, %add3A_253 : vector<8x2048xi32>
    %select_n3A_255 = arith.select %lt3A_250, %add3A_254, %select_n3A_243 : vector<8x2048xi1>, vector<8x2048xi32>
    %slice3A_256 = vector.extract_strided_slice %dot_general3A_13 {offsets = [168, 0], sizes = [8, 2048], strides = [1, 1]} : vector<1024x2048xf32> to vector<8x2048xf32>
    %add3A_257 = vector.broadcast %broadcast_in_dim3A : vector<1x2048xf32> to vector<8x2048xf32>
    %add3A_258 = arith.addf %add3A_257, %slice3A_256 : vector<8x2048xf32>
    %slice3A_259 = vector.extract_strided_slice %broadcast_in_dim3A_9 {offsets = [168, 0], sizes = [8, 1], strides = [1, 1]} : vector<1024x1xf32> to vector<8x1xf32>
    %add3A_260 = vector.broadcast %slice3A_259 : vector<8x1xf32> to vector<8x2048xf32>
    %add3A_261 = arith.addf %add3A_258, %add3A_260 : vector<8x2048xf32>
    %lt3A_262 = arith.cmpf olt, %add3A_261, %select_n3A_251 : vector<8x2048xf32>
    %select_n3A_263 = arith.select %lt3A_262, %add3A_261, %select_n3A_251 : vector<8x2048xi1>, vector<8x2048xf32>
    %add3A_264 = arith.constant 168 : i32
    %add3A_265 = vector.broadcast %add3A_264 : i32 to vector<8x2048xi32>
    %add3A_266 = arith.addi %iota3A, %add3A_265 : vector<8x2048xi32>
    %select_n3A_267 = arith.select %lt3A_262, %add3A_266, %select_n3A_255 : vector<8x2048xi1>, vector<8x2048xi32>
    %slice3A_268 = vector.extract_strided_slice %dot_general3A_13 {offsets = [176, 0], sizes = [8, 2048], strides = [1, 1]} : vector<1024x2048xf32> to vector<8x2048xf32>
    %add3A_269 = vector.broadcast %broadcast_in_dim3A : vector<1x2048xf32> to vector<8x2048xf32>
    %add3A_270 = arith.addf %add3A_269, %slice3A_268 : vector<8x2048xf32>
    %slice3A_271 = vector.extract_strided_slice %broadcast_in_dim3A_9 {offsets = [176, 0], sizes = [8, 1], strides = [1, 1]} : vector<1024x1xf32> to vector<8x1xf32>
    %add3A_272 = vector.broadcast %slice3A_271 : vector<8x1xf32> to vector<8x2048xf32>
    %add3A_273 = arith.addf %add3A_270, %add3A_272 : vector<8x2048xf32>
    %lt3A_274 = arith.cmpf olt, %add3A_273, %select_n3A_263 : vector<8x2048xf32>
    %select_n3A_275 = arith.select %lt3A_274, %add3A_273, %select_n3A_263 : vector<8x2048xi1>, vector<8x2048xf32>
    %add3A_276 = arith.constant 176 : i32
    %add3A_277 = vector.broadcast %add3A_276 : i32 to vector<8x2048xi32>
    %add3A_278 = arith.addi %iota3A, %add3A_277 : vector<8x2048xi32>
    %select_n3A_279 = arith.select %lt3A_274, %add3A_278, %select_n3A_267 : vector<8x2048xi1>, vector<8x2048xi32>
    %slice3A_280 = vector.extract_strided_slice %dot_general3A_13 {offsets = [184, 0], sizes = [8, 2048], strides = [1, 1]} : vector<1024x2048xf32> to vector<8x2048xf32>
    %add3A_281 = vector.broadcast %broadcast_in_dim3A : vector<1x2048xf32> to vector<8x2048xf32>
    %add3A_282 = arith.addf %add3A_281, %slice3A_280 : vector<8x2048xf32>
    %slice3A_283 = vector.extract_strided_slice %broadcast_in_dim3A_9 {offsets = [184, 0], sizes = [8, 1], strides = [1, 1]} : vector<1024x1xf32> to vector<8x1xf32>
    %add3A_284 = vector.broadcast %slice3A_283 : vector<8x1xf32> to vector<8x2048xf32>
    %add3A_285 = arith.addf %add3A_282, %add3A_284 : vector<8x2048xf32>
    %lt3A_286 = arith.cmpf olt, %add3A_285, %select_n3A_275 : vector<8x2048xf32>
    %select_n3A_287 = arith.select %lt3A_286, %add3A_285, %select_n3A_275 : vector<8x2048xi1>, vector<8x2048xf32>
    %add3A_288 = arith.constant 184 : i32
    %add3A_289 = vector.broadcast %add3A_288 : i32 to vector<8x2048xi32>
    %add3A_290 = arith.addi %iota3A, %add3A_289 : vector<8x2048xi32>
    %select_n3A_291 = arith.select %lt3A_286, %add3A_290, %select_n3A_279 : vector<8x2048xi1>, vector<8x2048xi32>
    %slice3A_292 = vector.extract_strided_slice %dot_general3A_13 {offsets = [192, 0], sizes = [8, 2048], strides = [1, 1]} : vector<1024x2048xf32> to vector<8x2048xf32>
    %add3A_293 = vector.broadcast %broadcast_in_dim3A : vector<1x2048xf32> to vector<8x2048xf32>
    %add3A_294 = arith.addf %add3A_293, %slice3A_292 : vector<8x2048xf32>
    %slice3A_295 = vector.extract_strided_slice %broadcast_in_dim3A_9 {offsets = [192, 0], sizes = [8, 1], strides = [1, 1]} : vector<1024x1xf32> to vector<8x1xf32>
    %add3A_296 = vector.broadcast %slice3A_295 : vector<8x1xf32> to vector<8x2048xf32>
    %add3A_297 = arith.addf %add3A_294, %add3A_296 : vector<8x2048xf32>
    %lt3A_298 = arith.cmpf olt, %add3A_297, %select_n3A_287 : vector<8x2048xf32>
    %select_n3A_299 = arith.select %lt3A_298, %add3A_297, %select_n3A_287 : vector<8x2048xi1>, vector<8x2048xf32>
    %add3A_300 = arith.constant 192 : i32
    %add3A_301 = vector.broadcast %add3A_300 : i32 to vector<8x2048xi32>
    %add3A_302 = arith.addi %iota3A, %add3A_301 : vector<8x2048xi32>
    %select_n3A_303 = arith.select %lt3A_298, %add3A_302, %select_n3A_291 : vector<8x2048xi1>, vector<8x2048xi32>
    %slice3A_304 = vector.extract_strided_slice %dot_general3A_13 {offsets = [200, 0], sizes = [8, 2048], strides = [1, 1]} : vector<1024x2048xf32> to vector<8x2048xf32>
    %add3A_305 = vector.broadcast %broadcast_in_dim3A : vector<1x2048xf32> to vector<8x2048xf32>
    %add3A_306 = arith.addf %add3A_305, %slice3A_304 : vector<8x2048xf32>
    %slice3A_307 = vector.extract_strided_slice %broadcast_in_dim3A_9 {offsets = [200, 0], sizes = [8, 1], strides = [1, 1]} : vector<1024x1xf32> to vector<8x1xf32>
    %add3A_308 = vector.broadcast %slice3A_307 : vector<8x1xf32> to vector<8x2048xf32>
    %add3A_309 = arith.addf %add3A_306, %add3A_308 : vector<8x2048xf32>
    %lt3A_310 = arith.cmpf olt, %add3A_309, %select_n3A_299 : vector<8x2048xf32>
    %select_n3A_311 = arith.select %lt3A_310, %add3A_309, %select_n3A_299 : vector<8x2048xi1>, vector<8x2048xf32>
    %add3A_312 = arith.constant 200 : i32
    %add3A_313 = vector.broadcast %add3A_312 : i32 to vector<8x2048xi32>
    %add3A_314 = arith.addi %iota3A, %add3A_313 : vector<8x2048xi32>
    %select_n3A_315 = arith.select %lt3A_310, %add3A_314, %select_n3A_303 : vector<8x2048xi1>, vector<8x2048xi32>
    %slice3A_316 = vector.extract_strided_slice %dot_general3A_13 {offsets = [208, 0], sizes = [8, 2048], strides = [1, 1]} : vector<1024x2048xf32> to vector<8x2048xf32>
    %add3A_317 = vector.broadcast %broadcast_in_dim3A : vector<1x2048xf32> to vector<8x2048xf32>
    %add3A_318 = arith.addf %add3A_317, %slice3A_316 : vector<8x2048xf32>
    %slice3A_319 = vector.extract_strided_slice %broadcast_in_dim3A_9 {offsets = [208, 0], sizes = [8, 1], strides = [1, 1]} : vector<1024x1xf32> to vector<8x1xf32>
    %add3A_320 = vector.broadcast %slice3A_319 : vector<8x1xf32> to vector<8x2048xf32>
    %add3A_321 = arith.addf %add3A_318, %add3A_320 : vector<8x2048xf32>
    %lt3A_322 = arith.cmpf olt, %add3A_321, %select_n3A_311 : vector<8x2048xf32>
    %select_n3A_323 = arith.select %lt3A_322, %add3A_321, %select_n3A_311 : vector<8x2048xi1>, vector<8x2048xf32>
    %add3A_324 = arith.constant 208 : i32
    %add3A_325 = vector.broadcast %add3A_324 : i32 to vector<8x2048xi32>
    %add3A_326 = arith.addi %iota3A, %add3A_325 : vector<8x2048xi32>
    %select_n3A_327 = arith.select %lt3A_322, %add3A_326, %select_n3A_315 : vector<8x2048xi1>, vector<8x2048xi32>
    %slice3A_328 = vector.extract_strided_slice %dot_general3A_13 {offsets = [216, 0], sizes = [8, 2048], strides = [1, 1]} : vector<1024x2048xf32> to vector<8x2048xf32>
    %add3A_329 = vector.broadcast %broadcast_in_dim3A : vector<1x2048xf32> to vector<8x2048xf32>
    %add3A_330 = arith.addf %add3A_329, %slice3A_328 : vector<8x2048xf32>
    %slice3A_331 = vector.extract_strided_slice %broadcast_in_dim3A_9 {offsets = [216, 0], sizes = [8, 1], strides = [1, 1]} : vector<1024x1xf32> to vector<8x1xf32>
    %add3A_332 = vector.broadcast %slice3A_331 : vector<8x1xf32> to vector<8x2048xf32>
    %add3A_333 = arith.addf %add3A_330, %add3A_332 : vector<8x2048xf32>
    %lt3A_334 = arith.cmpf olt, %add3A_333, %select_n3A_323 : vector<8x2048xf32>
    %select_n3A_335 = arith.select %lt3A_334, %add3A_333, %select_n3A_323 : vector<8x2048xi1>, vector<8x2048xf32>
    %add3A_336 = arith.constant 216 : i32
    %add3A_337 = vector.broadcast %add3A_336 : i32 to vector<8x2048xi32>
    %add3A_338 = arith.addi %iota3A, %add3A_337 : vector<8x2048xi32>
    %select_n3A_339 = arith.select %lt3A_334, %add3A_338, %select_n3A_327 : vector<8x2048xi1>, vector<8x2048xi32>
    %slice3A_340 = vector.extract_strided_slice %dot_general3A_13 {offsets = [224, 0], sizes = [8, 2048], strides = [1, 1]} : vector<1024x2048xf32> to vector<8x2048xf32>
    %add3A_341 = vector.broadcast %broadcast_in_dim3A : vector<1x2048xf32> to vector<8x2048xf32>
    %add3A_342 = arith.addf %add3A_341, %slice3A_340 : vector<8x2048xf32>
    %slice3A_343 = vector.extract_strided_slice %broadcast_in_dim3A_9 {offsets = [224, 0], sizes = [8, 1], strides = [1, 1]} : vector<1024x1xf32> to vector<8x1xf32>
    %add3A_344 = vector.broadcast %slice3A_343 : vector<8x1xf32> to vector<8x2048xf32>
    %add3A_345 = arith.addf %add3A_342, %add3A_344 : vector<8x2048xf32>
    %lt3A_346 = arith.cmpf olt, %add3A_345, %select_n3A_335 : vector<8x2048xf32>
    %select_n3A_347 = arith.select %lt3A_346, %add3A_345, %select_n3A_335 : vector<8x2048xi1>, vector<8x2048xf32>
    %add3A_348 = arith.constant 224 : i32
    %add3A_349 = vector.broadcast %add3A_348 : i32 to vector<8x2048xi32>
    %add3A_350 = arith.addi %iota3A, %add3A_349 : vector<8x2048xi32>
    %select_n3A_351 = arith.select %lt3A_346, %add3A_350, %select_n3A_339 : vector<8x2048xi1>, vector<8x2048xi32>
    %slice3A_352 = vector.extract_strided_slice %dot_general3A_13 {offsets = [232, 0], sizes = [8, 2048], strides = [1, 1]} : vector<1024x2048xf32> to vector<8x2048xf32>
    %add3A_353 = vector.broadcast %broadcast_in_dim3A : vector<1x2048xf32> to vector<8x2048xf32>
    %add3A_354 = arith.addf %add3A_353, %slice3A_352 : vector<8x2048xf32>
    %slice3A_355 = vector.extract_strided_slice %broadcast_in_dim3A_9 {offsets = [232, 0], sizes = [8, 1], strides = [1, 1]} : vector<1024x1xf32> to vector<8x1xf32>
    %add3A_356 = vector.broadcast %slice3A_355 : vector<8x1xf32> to vector<8x2048xf32>
    %add3A_357 = arith.addf %add3A_354, %add3A_356 : vector<8x2048xf32>
    %lt3A_358 = arith.cmpf olt, %add3A_357, %select_n3A_347 : vector<8x2048xf32>
    %select_n3A_359 = arith.select %lt3A_358, %add3A_357, %select_n3A_347 : vector<8x2048xi1>, vector<8x2048xf32>
    %add3A_360 = arith.constant 232 : i32
    %add3A_361 = vector.broadcast %add3A_360 : i32 to vector<8x2048xi32>
    %add3A_362 = arith.addi %iota3A, %add3A_361 : vector<8x2048xi32>
    %select_n3A_363 = arith.select %lt3A_358, %add3A_362, %select_n3A_351 : vector<8x2048xi1>, vector<8x2048xi32>
    %slice3A_364 = vector.extract_strided_slice %dot_general3A_13 {offsets = [240, 0], sizes = [8, 2048], strides = [1, 1]} : vector<1024x2048xf32> to vector<8x2048xf32>
    %add3A_365 = vector.broadcast %broadcast_in_dim3A : vector<1x2048xf32> to vector<8x2048xf32>
    %add3A_366 = arith.addf %add3A_365, %slice3A_364 : vector<8x2048xf32>
    %slice3A_367 = vector.extract_strided_slice %broadcast_in_dim3A_9 {offsets = [240, 0], sizes = [8, 1], strides = [1, 1]} : vector<1024x1xf32> to vector<8x1xf32>
    %add3A_368 = vector.broadcast %slice3A_367 : vector<8x1xf32> to vector<8x2048xf32>
    %add3A_369 = arith.addf %add3A_366, %add3A_368 : vector<8x2048xf32>
    %lt3A_370 = arith.cmpf olt, %add3A_369, %select_n3A_359 : vector<8x2048xf32>
    %select_n3A_371 = arith.select %lt3A_370, %add3A_369, %select_n3A_359 : vector<8x2048xi1>, vector<8x2048xf32>
    %add3A_372 = arith.constant 240 : i32
    %add3A_373 = vector.broadcast %add3A_372 : i32 to vector<8x2048xi32>
    %add3A_374 = arith.addi %iota3A, %add3A_373 : vector<8x2048xi32>
    %select_n3A_375 = arith.select %lt3A_370, %add3A_374, %select_n3A_363 : vector<8x2048xi1>, vector<8x2048xi32>
    %slice3A_376 = vector.extract_strided_slice %dot_general3A_13 {offsets = [248, 0], sizes = [8, 2048], strides = [1, 1]} : vector<1024x2048xf32> to vector<8x2048xf32>
    %add3A_377 = vector.broadcast %broadcast_in_dim3A : vector<1x2048xf32> to vector<8x2048xf32>
    %add3A_378 = arith.addf %add3A_377, %slice3A_376 : vector<8x2048xf32>
    %slice3A_379 = vector.extract_strided_slice %broadcast_in_dim3A_9 {offsets = [248, 0], sizes = [8, 1], strides = [1, 1]} : vector<1024x1xf32> to vector<8x1xf32>
    %add3A_380 = vector.broadcast %slice3A_379 : vector<8x1xf32> to vector<8x2048xf32>
    %add3A_381 = arith.addf %add3A_378, %add3A_380 : vector<8x2048xf32>
    %lt3A_382 = arith.cmpf olt, %add3A_381, %select_n3A_371 : vector<8x2048xf32>
    %select_n3A_383 = arith.select %lt3A_382, %add3A_381, %select_n3A_371 : vector<8x2048xi1>, vector<8x2048xf32>
    %add3A_384 = arith.constant 248 : i32
    %add3A_385 = vector.broadcast %add3A_384 : i32 to vector<8x2048xi32>
    %add3A_386 = arith.addi %iota3A, %add3A_385 : vector<8x2048xi32>
    %select_n3A_387 = arith.select %lt3A_382, %add3A_386, %select_n3A_375 : vector<8x2048xi1>, vector<8x2048xi32>
    %slice3A_388 = vector.extract_strided_slice %dot_general3A_13 {offsets = [256, 0], sizes = [8, 2048], strides = [1, 1]} : vector<1024x2048xf32> to vector<8x2048xf32>
    %add3A_389 = vector.broadcast %broadcast_in_dim3A : vector<1x2048xf32> to vector<8x2048xf32>
    %add3A_390 = arith.addf %add3A_389, %slice3A_388 : vector<8x2048xf32>
    %slice3A_391 = vector.extract_strided_slice %broadcast_in_dim3A_9 {offsets = [256, 0], sizes = [8, 1], strides = [1, 1]} : vector<1024x1xf32> to vector<8x1xf32>
    %add3A_392 = vector.broadcast %slice3A_391 : vector<8x1xf32> to vector<8x2048xf32>
    %add3A_393 = arith.addf %add3A_390, %add3A_392 : vector<8x2048xf32>
    %lt3A_394 = arith.cmpf olt, %add3A_393, %select_n3A_383 : vector<8x2048xf32>
    %select_n3A_395 = arith.select %lt3A_394, %add3A_393, %select_n3A_383 : vector<8x2048xi1>, vector<8x2048xf32>
    %add3A_396 = arith.constant 256 : i32
    %add3A_397 = vector.broadcast %add3A_396 : i32 to vector<8x2048xi32>
    %add3A_398 = arith.addi %iota3A, %add3A_397 : vector<8x2048xi32>
    %select_n3A_399 = arith.select %lt3A_394, %add3A_398, %select_n3A_387 : vector<8x2048xi1>, vector<8x2048xi32>
    %slice3A_400 = vector.extract_strided_slice %dot_general3A_13 {offsets = [264, 0], sizes = [8, 2048], strides = [1, 1]} : vector<1024x2048xf32> to vector<8x2048xf32>
    %add3A_401 = vector.broadcast %broadcast_in_dim3A : vector<1x2048xf32> to vector<8x2048xf32>
    %add3A_402 = arith.addf %add3A_401, %slice3A_400 : vector<8x2048xf32>
    %slice3A_403 = vector.extract_strided_slice %broadcast_in_dim3A_9 {offsets = [264, 0], sizes = [8, 1], strides = [1, 1]} : vector<1024x1xf32> to vector<8x1xf32>
    %add3A_404 = vector.broadcast %slice3A_403 : vector<8x1xf32> to vector<8x2048xf32>
    %add3A_405 = arith.addf %add3A_402, %add3A_404 : vector<8x2048xf32>
    %lt3A_406 = arith.cmpf olt, %add3A_405, %select_n3A_395 : vector<8x2048xf32>
    %select_n3A_407 = arith.select %lt3A_406, %add3A_405, %select_n3A_395 : vector<8x2048xi1>, vector<8x2048xf32>
    %add3A_408 = arith.constant 264 : i32
    %add3A_409 = vector.broadcast %add3A_408 : i32 to vector<8x2048xi32>
    %add3A_410 = arith.addi %iota3A, %add3A_409 : vector<8x2048xi32>
    %select_n3A_411 = arith.select %lt3A_406, %add3A_410, %select_n3A_399 : vector<8x2048xi1>, vector<8x2048xi32>
    %slice3A_412 = vector.extract_strided_slice %dot_general3A_13 {offsets = [272, 0], sizes = [8, 2048], strides = [1, 1]} : vector<1024x2048xf32> to vector<8x2048xf32>
    %add3A_413 = vector.broadcast %broadcast_in_dim3A : vector<1x2048xf32> to vector<8x2048xf32>
    %add3A_414 = arith.addf %add3A_413, %slice3A_412 : vector<8x2048xf32>
    %slice3A_415 = vector.extract_strided_slice %broadcast_in_dim3A_9 {offsets = [272, 0], sizes = [8, 1], strides = [1, 1]} : vector<1024x1xf32> to vector<8x1xf32>
    %add3A_416 = vector.broadcast %slice3A_415 : vector<8x1xf32> to vector<8x2048xf32>
    %add3A_417 = arith.addf %add3A_414, %add3A_416 : vector<8x2048xf32>
    %lt3A_418 = arith.cmpf olt, %add3A_417, %select_n3A_407 : vector<8x2048xf32>
    %select_n3A_419 = arith.select %lt3A_418, %add3A_417, %select_n3A_407 : vector<8x2048xi1>, vector<8x2048xf32>
    %add3A_420 = arith.constant 272 : i32
    %add3A_421 = vector.broadcast %add3A_420 : i32 to vector<8x2048xi32>
    %add3A_422 = arith.addi %iota3A, %add3A_421 : vector<8x2048xi32>
    %select_n3A_423 = arith.select %lt3A_418, %add3A_422, %select_n3A_411 : vector<8x2048xi1>, vector<8x2048xi32>
    %slice3A_424 = vector.extract_strided_slice %dot_general3A_13 {offsets = [280, 0], sizes = [8, 2048], strides = [1, 1]} : vector<1024x2048xf32> to vector<8x2048xf32>
    %add3A_425 = vector.broadcast %broadcast_in_dim3A : vector<1x2048xf32> to vector<8x2048xf32>
    %add3A_426 = arith.addf %add3A_425, %slice3A_424 : vector<8x2048xf32>
    %slice3A_427 = vector.extract_strided_slice %broadcast_in_dim3A_9 {offsets = [280, 0], sizes = [8, 1], strides = [1, 1]} : vector<1024x1xf32> to vector<8x1xf32>
    %add3A_428 = vector.broadcast %slice3A_427 : vector<8x1xf32> to vector<8x2048xf32>
    %add3A_429 = arith.addf %add3A_426, %add3A_428 : vector<8x2048xf32>
    %lt3A_430 = arith.cmpf olt, %add3A_429, %select_n3A_419 : vector<8x2048xf32>
    %select_n3A_431 = arith.select %lt3A_430, %add3A_429, %select_n3A_419 : vector<8x2048xi1>, vector<8x2048xf32>
    %add3A_432 = arith.constant 280 : i32
    %add3A_433 = vector.broadcast %add3A_432 : i32 to vector<8x2048xi32>
    %add3A_434 = arith.addi %iota3A, %add3A_433 : vector<8x2048xi32>
    %select_n3A_435 = arith.select %lt3A_430, %add3A_434, %select_n3A_423 : vector<8x2048xi1>, vector<8x2048xi32>
    %slice3A_436 = vector.extract_strided_slice %dot_general3A_13 {offsets = [288, 0], sizes = [8, 2048], strides = [1, 1]} : vector<1024x2048xf32> to vector<8x2048xf32>
    %add3A_437 = vector.broadcast %broadcast_in_dim3A : vector<1x2048xf32> to vector<8x2048xf32>
    %add3A_438 = arith.addf %add3A_437, %slice3A_436 : vector<8x2048xf32>
    %slice3A_439 = vector.extract_strided_slice %broadcast_in_dim3A_9 {offsets = [288, 0], sizes = [8, 1], strides = [1, 1]} : vector<1024x1xf32> to vector<8x1xf32>
    %add3A_440 = vector.broadcast %slice3A_439 : vector<8x1xf32> to vector<8x2048xf32>
    %add3A_441 = arith.addf %add3A_438, %add3A_440 : vector<8x2048xf32>
    %lt3A_442 = arith.cmpf olt, %add3A_441, %select_n3A_431 : vector<8x2048xf32>
    %select_n3A_443 = arith.select %lt3A_442, %add3A_441, %select_n3A_431 : vector<8x2048xi1>, vector<8x2048xf32>
    %add3A_444 = arith.constant 288 : i32
    %add3A_445 = vector.broadcast %add3A_444 : i32 to vector<8x2048xi32>
    %add3A_446 = arith.addi %iota3A, %add3A_445 : vector<8x2048xi32>
    %select_n3A_447 = arith.select %lt3A_442, %add3A_446, %select_n3A_435 : vector<8x2048xi1>, vector<8x2048xi32>
    %slice3A_448 = vector.extract_strided_slice %dot_general3A_13 {offsets = [296, 0], sizes = [8, 2048], strides = [1, 1]} : vector<1024x2048xf32> to vector<8x2048xf32>
    %add3A_449 = vector.broadcast %broadcast_in_dim3A : vector<1x2048xf32> to vector<8x2048xf32>
    %add3A_450 = arith.addf %add3A_449, %slice3A_448 : vector<8x2048xf32>
    %slice3A_451 = vector.extract_strided_slice %broadcast_in_dim3A_9 {offsets = [296, 0], sizes = [8, 1], strides = [1, 1]} : vector<1024x1xf32> to vector<8x1xf32>
    %add3A_452 = vector.broadcast %slice3A_451 : vector<8x1xf32> to vector<8x2048xf32>
    %add3A_453 = arith.addf %add3A_450, %add3A_452 : vector<8x2048xf32>
    %lt3A_454 = arith.cmpf olt, %add3A_453, %select_n3A_443 : vector<8x2048xf32>
    %select_n3A_455 = arith.select %lt3A_454, %add3A_453, %select_n3A_443 : vector<8x2048xi1>, vector<8x2048xf32>
    %add3A_456 = arith.constant 296 : i32
    %add3A_457 = vector.broadcast %add3A_456 : i32 to vector<8x2048xi32>
    %add3A_458 = arith.addi %iota3A, %add3A_457 : vector<8x2048xi32>
    %select_n3A_459 = arith.select %lt3A_454, %add3A_458, %select_n3A_447 : vector<8x2048xi1>, vector<8x2048xi32>
    %slice3A_460 = vector.extract_strided_slice %dot_general3A_13 {offsets = [304, 0], sizes = [8, 2048], strides = [1, 1]} : vector<1024x2048xf32> to vector<8x2048xf32>
    %add3A_461 = vector.broadcast %broadcast_in_dim3A : vector<1x2048xf32> to vector<8x2048xf32>
    %add3A_462 = arith.addf %add3A_461, %slice3A_460 : vector<8x2048xf32>
    %slice3A_463 = vector.extract_strided_slice %broadcast_in_dim3A_9 {offsets = [304, 0], sizes = [8, 1], strides = [1, 1]} : vector<1024x1xf32> to vector<8x1xf32>
    %add3A_464 = vector.broadcast %slice3A_463 : vector<8x1xf32> to vector<8x2048xf32>
    %add3A_465 = arith.addf %add3A_462, %add3A_464 : vector<8x2048xf32>
    %lt3A_466 = arith.cmpf olt, %add3A_465, %select_n3A_455 : vector<8x2048xf32>
    %select_n3A_467 = arith.select %lt3A_466, %add3A_465, %select_n3A_455 : vector<8x2048xi1>, vector<8x2048xf32>
    %add3A_468 = arith.constant 304 : i32
    %add3A_469 = vector.broadcast %add3A_468 : i32 to vector<8x2048xi32>
    %add3A_470 = arith.addi %iota3A, %add3A_469 : vector<8x2048xi32>
    %select_n3A_471 = arith.select %lt3A_466, %add3A_470, %select_n3A_459 : vector<8x2048xi1>, vector<8x2048xi32>
    %slice3A_472 = vector.extract_strided_slice %dot_general3A_13 {offsets = [312, 0], sizes = [8, 2048], strides = [1, 1]} : vector<1024x2048xf32> to vector<8x2048xf32>
    %add3A_473 = vector.broadcast %broadcast_in_dim3A : vector<1x2048xf32> to vector<8x2048xf32>
    %add3A_474 = arith.addf %add3A_473, %slice3A_472 : vector<8x2048xf32>
    %slice3A_475 = vector.extract_strided_slice %broadcast_in_dim3A_9 {offsets = [312, 0], sizes = [8, 1], strides = [1, 1]} : vector<1024x1xf32> to vector<8x1xf32>
    %add3A_476 = vector.broadcast %slice3A_475 : vector<8x1xf32> to vector<8x2048xf32>
    %add3A_477 = arith.addf %add3A_474, %add3A_476 : vector<8x2048xf32>
    %lt3A_478 = arith.cmpf olt, %add3A_477, %select_n3A_467 : vector<8x2048xf32>
    %select_n3A_479 = arith.select %lt3A_478, %add3A_477, %select_n3A_467 : vector<8x2048xi1>, vector<8x2048xf32>
    %add3A_480 = arith.constant 312 : i32
    %add3A_481 = vector.broadcast %add3A_480 : i32 to vector<8x2048xi32>
    %add3A_482 = arith.addi %iota3A, %add3A_481 : vector<8x2048xi32>
    %select_n3A_483 = arith.select %lt3A_478, %add3A_482, %select_n3A_471 : vector<8x2048xi1>, vector<8x2048xi32>
    %slice3A_484 = vector.extract_strided_slice %dot_general3A_13 {offsets = [320, 0], sizes = [8, 2048], strides = [1, 1]} : vector<1024x2048xf32> to vector<8x2048xf32>
    %add3A_485 = vector.broadcast %broadcast_in_dim3A : vector<1x2048xf32> to vector<8x2048xf32>
    %add3A_486 = arith.addf %add3A_485, %slice3A_484 : vector<8x2048xf32>
    %slice3A_487 = vector.extract_strided_slice %broadcast_in_dim3A_9 {offsets = [320, 0], sizes = [8, 1], strides = [1, 1]} : vector<1024x1xf32> to vector<8x1xf32>
    %add3A_488 = vector.broadcast %slice3A_487 : vector<8x1xf32> to vector<8x2048xf32>
    %add3A_489 = arith.addf %add3A_486, %add3A_488 : vector<8x2048xf32>
    %lt3A_490 = arith.cmpf olt, %add3A_489, %select_n3A_479 : vector<8x2048xf32>
    %select_n3A_491 = arith.select %lt3A_490, %add3A_489, %select_n3A_479 : vector<8x2048xi1>, vector<8x2048xf32>
    %add3A_492 = arith.constant 320 : i32
    %add3A_493 = vector.broadcast %add3A_492 : i32 to vector<8x2048xi32>
    %add3A_494 = arith.addi %iota3A, %add3A_493 : vector<8x2048xi32>
    %select_n3A_495 = arith.select %lt3A_490, %add3A_494, %select_n3A_483 : vector<8x2048xi1>, vector<8x2048xi32>
    %slice3A_496 = vector.extract_strided_slice %dot_general3A_13 {offsets = [328, 0], sizes = [8, 2048], strides = [1, 1]} : vector<1024x2048xf32> to vector<8x2048xf32>
    %add3A_497 = vector.broadcast %broadcast_in_dim3A : vector<1x2048xf32> to vector<8x2048xf32>
    %add3A_498 = arith.addf %add3A_497, %slice3A_496 : vector<8x2048xf32>
    %slice3A_499 = vector.extract_strided_slice %broadcast_in_dim3A_9 {offsets = [328, 0], sizes = [8, 1], strides = [1, 1]} : vector<1024x1xf32> to vector<8x1xf32>
    %add3A_500 = vector.broadcast %slice3A_499 : vector<8x1xf32> to vector<8x2048xf32>
    %add3A_501 = arith.addf %add3A_498, %add3A_500 : vector<8x2048xf32>
    %lt3A_502 = arith.cmpf olt, %add3A_501, %select_n3A_491 : vector<8x2048xf32>
    %select_n3A_503 = arith.select %lt3A_502, %add3A_501, %select_n3A_491 : vector<8x2048xi1>, vector<8x2048xf32>
    %add3A_504 = arith.constant 328 : i32
    %add3A_505 = vector.broadcast %add3A_504 : i32 to vector<8x2048xi32>
    %add3A_506 = arith.addi %iota3A, %add3A_505 : vector<8x2048xi32>
    %select_n3A_507 = arith.select %lt3A_502, %add3A_506, %select_n3A_495 : vector<8x2048xi1>, vector<8x2048xi32>
    %slice3A_508 = vector.extract_strided_slice %dot_general3A_13 {offsets = [336, 0], sizes = [8, 2048], strides = [1, 1]} : vector<1024x2048xf32> to vector<8x2048xf32>
    %add3A_509 = vector.broadcast %broadcast_in_dim3A : vector<1x2048xf32> to vector<8x2048xf32>
    %add3A_510 = arith.addf %add3A_509, %slice3A_508 : vector<8x2048xf32>
    %slice3A_511 = vector.extract_strided_slice %broadcast_in_dim3A_9 {offsets = [336, 0], sizes = [8, 1], strides = [1, 1]} : vector<1024x1xf32> to vector<8x1xf32>
    %add3A_512 = vector.broadcast %slice3A_511 : vector<8x1xf32> to vector<8x2048xf32>
    %add3A_513 = arith.addf %add3A_510, %add3A_512 : vector<8x2048xf32>
    %lt3A_514 = arith.cmpf olt, %add3A_513, %select_n3A_503 : vector<8x2048xf32>
    %select_n3A_515 = arith.select %lt3A_514, %add3A_513, %select_n3A_503 : vector<8x2048xi1>, vector<8x2048xf32>
    %add3A_516 = arith.constant 336 : i32
    %add3A_517 = vector.broadcast %add3A_516 : i32 to vector<8x2048xi32>
    %add3A_518 = arith.addi %iota3A, %add3A_517 : vector<8x2048xi32>
    %select_n3A_519 = arith.select %lt3A_514, %add3A_518, %select_n3A_507 : vector<8x2048xi1>, vector<8x2048xi32>
    %slice3A_520 = vector.extract_strided_slice %dot_general3A_13 {offsets = [344, 0], sizes = [8, 2048], strides = [1, 1]} : vector<1024x2048xf32> to vector<8x2048xf32>
    %add3A_521 = vector.broadcast %broadcast_in_dim3A : vector<1x2048xf32> to vector<8x2048xf32>
    %add3A_522 = arith.addf %add3A_521, %slice3A_520 : vector<8x2048xf32>
    %slice3A_523 = vector.extract_strided_slice %broadcast_in_dim3A_9 {offsets = [344, 0], sizes = [8, 1], strides = [1, 1]} : vector<1024x1xf32> to vector<8x1xf32>
    %add3A_524 = vector.broadcast %slice3A_523 : vector<8x1xf32> to vector<8x2048xf32>
    %add3A_525 = arith.addf %add3A_522, %add3A_524 : vector<8x2048xf32>
    %lt3A_526 = arith.cmpf olt, %add3A_525, %select_n3A_515 : vector<8x2048xf32>
    %select_n3A_527 = arith.select %lt3A_526, %add3A_525, %select_n3A_515 : vector<8x2048xi1>, vector<8x2048xf32>
    %add3A_528 = arith.constant 344 : i32
    %add3A_529 = vector.broadcast %add3A_528 : i32 to vector<8x2048xi32>
    %add3A_530 = arith.addi %iota3A, %add3A_529 : vector<8x2048xi32>
    %select_n3A_531 = arith.select %lt3A_526, %add3A_530, %select_n3A_519 : vector<8x2048xi1>, vector<8x2048xi32>
    %slice3A_532 = vector.extract_strided_slice %dot_general3A_13 {offsets = [352, 0], sizes = [8, 2048], strides = [1, 1]} : vector<1024x2048xf32> to vector<8x2048xf32>
    %add3A_533 = vector.broadcast %broadcast_in_dim3A : vector<1x2048xf32> to vector<8x2048xf32>
    %add3A_534 = arith.addf %add3A_533, %slice3A_532 : vector<8x2048xf32>
    %slice3A_535 = vector.extract_strided_slice %broadcast_in_dim3A_9 {offsets = [352, 0], sizes = [8, 1], strides = [1, 1]} : vector<1024x1xf32> to vector<8x1xf32>
    %add3A_536 = vector.broadcast %slice3A_535 : vector<8x1xf32> to vector<8x2048xf32>
    %add3A_537 = arith.addf %add3A_534, %add3A_536 : vector<8x2048xf32>
    %lt3A_538 = arith.cmpf olt, %add3A_537, %select_n3A_527 : vector<8x2048xf32>
    %select_n3A_539 = arith.select %lt3A_538, %add3A_537, %select_n3A_527 : vector<8x2048xi1>, vector<8x2048xf32>
    %add3A_540 = arith.constant 352 : i32
    %add3A_541 = vector.broadcast %add3A_540 : i32 to vector<8x2048xi32>
    %add3A_542 = arith.addi %iota3A, %add3A_541 : vector<8x2048xi32>
    %select_n3A_543 = arith.select %lt3A_538, %add3A_542, %select_n3A_531 : vector<8x2048xi1>, vector<8x2048xi32>
    %slice3A_544 = vector.extract_strided_slice %dot_general3A_13 {offsets = [360, 0], sizes = [8, 2048], strides = [1, 1]} : vector<1024x2048xf32> to vector<8x2048xf32>
    %add3A_545 = vector.broadcast %broadcast_in_dim3A : vector<1x2048xf32> to vector<8x2048xf32>
    %add3A_546 = arith.addf %add3A_545, %slice3A_544 : vector<8x2048xf32>
    %slice3A_547 = vector.extract_strided_slice %broadcast_in_dim3A_9 {offsets = [360, 0], sizes = [8, 1], strides = [1, 1]} : vector<1024x1xf32> to vector<8x1xf32>
    %add3A_548 = vector.broadcast %slice3A_547 : vector<8x1xf32> to vector<8x2048xf32>
    %add3A_549 = arith.addf %add3A_546, %add3A_548 : vector<8x2048xf32>
    %lt3A_550 = arith.cmpf olt, %add3A_549, %select_n3A_539 : vector<8x2048xf32>
    %select_n3A_551 = arith.select %lt3A_550, %add3A_549, %select_n3A_539 : vector<8x2048xi1>, vector<8x2048xf32>
    %add3A_552 = arith.constant 360 : i32
    %add3A_553 = vector.broadcast %add3A_552 : i32 to vector<8x2048xi32>
    %add3A_554 = arith.addi %iota3A, %add3A_553 : vector<8x2048xi32>
    %select_n3A_555 = arith.select %lt3A_550, %add3A_554, %select_n3A_543 : vector<8x2048xi1>, vector<8x2048xi32>
    %slice3A_556 = vector.extract_strided_slice %dot_general3A_13 {offsets = [368, 0], sizes = [8, 2048], strides = [1, 1]} : vector<1024x2048xf32> to vector<8x2048xf32>
    %add3A_557 = vector.broadcast %broadcast_in_dim3A : vector<1x2048xf32> to vector<8x2048xf32>
    %add3A_558 = arith.addf %add3A_557, %slice3A_556 : vector<8x2048xf32>
    %slice3A_559 = vector.extract_strided_slice %broadcast_in_dim3A_9 {offsets = [368, 0], sizes = [8, 1], strides = [1, 1]} : vector<1024x1xf32> to vector<8x1xf32>
    %add3A_560 = vector.broadcast %slice3A_559 : vector<8x1xf32> to vector<8x2048xf32>
    %add3A_561 = arith.addf %add3A_558, %add3A_560 : vector<8x2048xf32>
    %lt3A_562 = arith.cmpf olt, %add3A_561, %select_n3A_551 : vector<8x2048xf32>
    %select_n3A_563 = arith.select %lt3A_562, %add3A_561, %select_n3A_551 : vector<8x2048xi1>, vector<8x2048xf32>
    %add3A_564 = arith.constant 368 : i32
    %add3A_565 = vector.broadcast %add3A_564 : i32 to vector<8x2048xi32>
    %add3A_566 = arith.addi %iota3A, %add3A_565 : vector<8x2048xi32>
    %select_n3A_567 = arith.select %lt3A_562, %add3A_566, %select_n3A_555 : vector<8x2048xi1>, vector<8x2048xi32>
    %slice3A_568 = vector.extract_strided_slice %dot_general3A_13 {offsets = [376, 0], sizes = [8, 2048], strides = [1, 1]} : vector<1024x2048xf32> to vector<8x2048xf32>
    %add3A_569 = vector.broadcast %broadcast_in_dim3A : vector<1x2048xf32> to vector<8x2048xf32>
    %add3A_570 = arith.addf %add3A_569, %slice3A_568 : vector<8x2048xf32>
    %slice3A_571 = vector.extract_strided_slice %broadcast_in_dim3A_9 {offsets = [376, 0], sizes = [8, 1], strides = [1, 1]} : vector<1024x1xf32> to vector<8x1xf32>
    %add3A_572 = vector.broadcast %slice3A_571 : vector<8x1xf32> to vector<8x2048xf32>
    %add3A_573 = arith.addf %add3A_570, %add3A_572 : vector<8x2048xf32>
    %lt3A_574 = arith.cmpf olt, %add3A_573, %select_n3A_563 : vector<8x2048xf32>
    %select_n3A_575 = arith.select %lt3A_574, %add3A_573, %select_n3A_563 : vector<8x2048xi1>, vector<8x2048xf32>
    %add3A_576 = arith.constant 376 : i32
    %add3A_577 = vector.broadcast %add3A_576 : i32 to vector<8x2048xi32>
    %add3A_578 = arith.addi %iota3A, %add3A_577 : vector<8x2048xi32>
    %select_n3A_579 = arith.select %lt3A_574, %add3A_578, %select_n3A_567 : vector<8x2048xi1>, vector<8x2048xi32>
    %slice3A_580 = vector.extract_strided_slice %dot_general3A_13 {offsets = [384, 0], sizes = [8, 2048], strides = [1, 1]} : vector<1024x2048xf32> to vector<8x2048xf32>
    %add3A_581 = vector.broadcast %broadcast_in_dim3A : vector<1x2048xf32> to vector<8x2048xf32>
    %add3A_582 = arith.addf %add3A_581, %slice3A_580 : vector<8x2048xf32>
    %slice3A_583 = vector.extract_strided_slice %broadcast_in_dim3A_9 {offsets = [384, 0], sizes = [8, 1], strides = [1, 1]} : vector<1024x1xf32> to vector<8x1xf32>
    %add3A_584 = vector.broadcast %slice3A_583 : vector<8x1xf32> to vector<8x2048xf32>
    %add3A_585 = arith.addf %add3A_582, %add3A_584 : vector<8x2048xf32>
    %lt3A_586 = arith.cmpf olt, %add3A_585, %select_n3A_575 : vector<8x2048xf32>
    %select_n3A_587 = arith.select %lt3A_586, %add3A_585, %select_n3A_575 : vector<8x2048xi1>, vector<8x2048xf32>
    %add3A_588 = arith.constant 384 : i32
    %add3A_589 = vector.broadcast %add3A_588 : i32 to vector<8x2048xi32>
    %add3A_590 = arith.addi %iota3A, %add3A_589 : vector<8x2048xi32>
    %select_n3A_591 = arith.select %lt3A_586, %add3A_590, %select_n3A_579 : vector<8x2048xi1>, vector<8x2048xi32>
    %slice3A_592 = vector.extract_strided_slice %dot_general3A_13 {offsets = [392, 0], sizes = [8, 2048], strides = [1, 1]} : vector<1024x2048xf32> to vector<8x2048xf32>
    %add3A_593 = vector.broadcast %broadcast_in_dim3A : vector<1x2048xf32> to vector<8x2048xf32>
    %add3A_594 = arith.addf %add3A_593, %slice3A_592 : vector<8x2048xf32>
    %slice3A_595 = vector.extract_strided_slice %broadcast_in_dim3A_9 {offsets = [392, 0], sizes = [8, 1], strides = [1, 1]} : vector<1024x1xf32> to vector<8x1xf32>
    %add3A_596 = vector.broadcast %slice3A_595 : vector<8x1xf32> to vector<8x2048xf32>
    %add3A_597 = arith.addf %add3A_594, %add3A_596 : vector<8x2048xf32>
    %lt3A_598 = arith.cmpf olt, %add3A_597, %select_n3A_587 : vector<8x2048xf32>
    %select_n3A_599 = arith.select %lt3A_598, %add3A_597, %select_n3A_587 : vector<8x2048xi1>, vector<8x2048xf32>
    %add3A_600 = arith.constant 392 : i32
    %add3A_601 = vector.broadcast %add3A_600 : i32 to vector<8x2048xi32>
    %add3A_602 = arith.addi %iota3A, %add3A_601 : vector<8x2048xi32>
    %select_n3A_603 = arith.select %lt3A_598, %add3A_602, %select_n3A_591 : vector<8x2048xi1>, vector<8x2048xi32>
    %slice3A_604 = vector.extract_strided_slice %dot_general3A_13 {offsets = [400, 0], sizes = [8, 2048], strides = [1, 1]} : vector<1024x2048xf32> to vector<8x2048xf32>
    %add3A_605 = vector.broadcast %broadcast_in_dim3A : vector<1x2048xf32> to vector<8x2048xf32>
    %add3A_606 = arith.addf %add3A_605, %slice3A_604 : vector<8x2048xf32>
    %slice3A_607 = vector.extract_strided_slice %broadcast_in_dim3A_9 {offsets = [400, 0], sizes = [8, 1], strides = [1, 1]} : vector<1024x1xf32> to vector<8x1xf32>
    %add3A_608 = vector.broadcast %slice3A_607 : vector<8x1xf32> to vector<8x2048xf32>
    %add3A_609 = arith.addf %add3A_606, %add3A_608 : vector<8x2048xf32>
    %lt3A_610 = arith.cmpf olt, %add3A_609, %select_n3A_599 : vector<8x2048xf32>
    %select_n3A_611 = arith.select %lt3A_610, %add3A_609, %select_n3A_599 : vector<8x2048xi1>, vector<8x2048xf32>
    %add3A_612 = arith.constant 400 : i32
    %add3A_613 = vector.broadcast %add3A_612 : i32 to vector<8x2048xi32>
    %add3A_614 = arith.addi %iota3A, %add3A_613 : vector<8x2048xi32>
    %select_n3A_615 = arith.select %lt3A_610, %add3A_614, %select_n3A_603 : vector<8x2048xi1>, vector<8x2048xi32>
    %slice3A_616 = vector.extract_strided_slice %dot_general3A_13 {offsets = [408, 0], sizes = [8, 2048], strides = [1, 1]} : vector<1024x2048xf32> to vector<8x2048xf32>
    %add3A_617 = vector.broadcast %broadcast_in_dim3A : vector<1x2048xf32> to vector<8x2048xf32>
    %add3A_618 = arith.addf %add3A_617, %slice3A_616 : vector<8x2048xf32>
    %slice3A_619 = vector.extract_strided_slice %broadcast_in_dim3A_9 {offsets = [408, 0], sizes = [8, 1], strides = [1, 1]} : vector<1024x1xf32> to vector<8x1xf32>
    %add3A_620 = vector.broadcast %slice3A_619 : vector<8x1xf32> to vector<8x2048xf32>
    %add3A_621 = arith.addf %add3A_618, %add3A_620 : vector<8x2048xf32>
    %lt3A_622 = arith.cmpf olt, %add3A_621, %select_n3A_611 : vector<8x2048xf32>
    %select_n3A_623 = arith.select %lt3A_622, %add3A_621, %select_n3A_611 : vector<8x2048xi1>, vector<8x2048xf32>
    %add3A_624 = arith.constant 408 : i32
    %add3A_625 = vector.broadcast %add3A_624 : i32 to vector<8x2048xi32>
    %add3A_626 = arith.addi %iota3A, %add3A_625 : vector<8x2048xi32>
    %select_n3A_627 = arith.select %lt3A_622, %add3A_626, %select_n3A_615 : vector<8x2048xi1>, vector<8x2048xi32>
    %slice3A_628 = vector.extract_strided_slice %dot_general3A_13 {offsets = [416, 0], sizes = [8, 2048], strides = [1, 1]} : vector<1024x2048xf32> to vector<8x2048xf32>
    %add3A_629 = vector.broadcast %broadcast_in_dim3A : vector<1x2048xf32> to vector<8x2048xf32>
    %add3A_630 = arith.addf %add3A_629, %slice3A_628 : vector<8x2048xf32>
    %slice3A_631 = vector.extract_strided_slice %broadcast_in_dim3A_9 {offsets = [416, 0], sizes = [8, 1], strides = [1, 1]} : vector<1024x1xf32> to vector<8x1xf32>
    %add3A_632 = vector.broadcast %slice3A_631 : vector<8x1xf32> to vector<8x2048xf32>
    %add3A_633 = arith.addf %add3A_630, %add3A_632 : vector<8x2048xf32>
    %lt3A_634 = arith.cmpf olt, %add3A_633, %select_n3A_623 : vector<8x2048xf32>
    %select_n3A_635 = arith.select %lt3A_634, %add3A_633, %select_n3A_623 : vector<8x2048xi1>, vector<8x2048xf32>
    %add3A_636 = arith.constant 416 : i32
    %add3A_637 = vector.broadcast %add3A_636 : i32 to vector<8x2048xi32>
    %add3A_638 = arith.addi %iota3A, %add3A_637 : vector<8x2048xi32>
    %select_n3A_639 = arith.select %lt3A_634, %add3A_638, %select_n3A_627 : vector<8x2048xi1>, vector<8x2048xi32>
    %slice3A_640 = vector.extract_strided_slice %dot_general3A_13 {offsets = [424, 0], sizes = [8, 2048], strides = [1, 1]} : vector<1024x2048xf32> to vector<8x2048xf32>
    %add3A_641 = vector.broadcast %broadcast_in_dim3A : vector<1x2048xf32> to vector<8x2048xf32>
    %add3A_642 = arith.addf %add3A_641, %slice3A_640 : vector<8x2048xf32>
    %slice3A_643 = vector.extract_strided_slice %broadcast_in_dim3A_9 {offsets = [424, 0], sizes = [8, 1], strides = [1, 1]} : vector<1024x1xf32> to vector<8x1xf32>
    %add3A_644 = vector.broadcast %slice3A_643 : vector<8x1xf32> to vector<8x2048xf32>
    %add3A_645 = arith.addf %add3A_642, %add3A_644 : vector<8x2048xf32>
    %lt3A_646 = arith.cmpf olt, %add3A_645, %select_n3A_635 : vector<8x2048xf32>
    %select_n3A_647 = arith.select %lt3A_646, %add3A_645, %select_n3A_635 : vector<8x2048xi1>, vector<8x2048xf32>
    %add3A_648 = arith.constant 424 : i32
    %add3A_649 = vector.broadcast %add3A_648 : i32 to vector<8x2048xi32>
    %add3A_650 = arith.addi %iota3A, %add3A_649 : vector<8x2048xi32>
    %select_n3A_651 = arith.select %lt3A_646, %add3A_650, %select_n3A_639 : vector<8x2048xi1>, vector<8x2048xi32>
    %slice3A_652 = vector.extract_strided_slice %dot_general3A_13 {offsets = [432, 0], sizes = [8, 2048], strides = [1, 1]} : vector<1024x2048xf32> to vector<8x2048xf32>
    %add3A_653 = vector.broadcast %broadcast_in_dim3A : vector<1x2048xf32> to vector<8x2048xf32>
    %add3A_654 = arith.addf %add3A_653, %slice3A_652 : vector<8x2048xf32>
    %slice3A_655 = vector.extract_strided_slice %broadcast_in_dim3A_9 {offsets = [432, 0], sizes = [8, 1], strides = [1, 1]} : vector<1024x1xf32> to vector<8x1xf32>
    %add3A_656 = vector.broadcast %slice3A_655 : vector<8x1xf32> to vector<8x2048xf32>
    %add3A_657 = arith.addf %add3A_654, %add3A_656 : vector<8x2048xf32>
    %lt3A_658 = arith.cmpf olt, %add3A_657, %select_n3A_647 : vector<8x2048xf32>
    %select_n3A_659 = arith.select %lt3A_658, %add3A_657, %select_n3A_647 : vector<8x2048xi1>, vector<8x2048xf32>
    %add3A_660 = arith.constant 432 : i32
    %add3A_661 = vector.broadcast %add3A_660 : i32 to vector<8x2048xi32>
    %add3A_662 = arith.addi %iota3A, %add3A_661 : vector<8x2048xi32>
    %select_n3A_663 = arith.select %lt3A_658, %add3A_662, %select_n3A_651 : vector<8x2048xi1>, vector<8x2048xi32>
    %slice3A_664 = vector.extract_strided_slice %dot_general3A_13 {offsets = [440, 0], sizes = [8, 2048], strides = [1, 1]} : vector<1024x2048xf32> to vector<8x2048xf32>
    %add3A_665 = vector.broadcast %broadcast_in_dim3A : vector<1x2048xf32> to vector<8x2048xf32>
    %add3A_666 = arith.addf %add3A_665, %slice3A_664 : vector<8x2048xf32>
    %slice3A_667 = vector.extract_strided_slice %broadcast_in_dim3A_9 {offsets = [440, 0], sizes = [8, 1], strides = [1, 1]} : vector<1024x1xf32> to vector<8x1xf32>
    %add3A_668 = vector.broadcast %slice3A_667 : vector<8x1xf32> to vector<8x2048xf32>
    %add3A_669 = arith.addf %add3A_666, %add3A_668 : vector<8x2048xf32>
    %lt3A_670 = arith.cmpf olt, %add3A_669, %select_n3A_659 : vector<8x2048xf32>
    %select_n3A_671 = arith.select %lt3A_670, %add3A_669, %select_n3A_659 : vector<8x2048xi1>, vector<8x2048xf32>
    %add3A_672 = arith.constant 440 : i32
    %add3A_673 = vector.broadcast %add3A_672 : i32 to vector<8x2048xi32>
    %add3A_674 = arith.addi %iota3A, %add3A_673 : vector<8x2048xi32>
    %select_n3A_675 = arith.select %lt3A_670, %add3A_674, %select_n3A_663 : vector<8x2048xi1>, vector<8x2048xi32>
    %slice3A_676 = vector.extract_strided_slice %dot_general3A_13 {offsets = [448, 0], sizes = [8, 2048], strides = [1, 1]} : vector<1024x2048xf32> to vector<8x2048xf32>
    %add3A_677 = vector.broadcast %broadcast_in_dim3A : vector<1x2048xf32> to vector<8x2048xf32>
    %add3A_678 = arith.addf %add3A_677, %slice3A_676 : vector<8x2048xf32>
    %slice3A_679 = vector.extract_strided_slice %broadcast_in_dim3A_9 {offsets = [448, 0], sizes = [8, 1], strides = [1, 1]} : vector<1024x1xf32> to vector<8x1xf32>
    %add3A_680 = vector.broadcast %slice3A_679 : vector<8x1xf32> to vector<8x2048xf32>
    %add3A_681 = arith.addf %add3A_678, %add3A_680 : vector<8x2048xf32>
    %lt3A_682 = arith.cmpf olt, %add3A_681, %select_n3A_671 : vector<8x2048xf32>
    %select_n3A_683 = arith.select %lt3A_682, %add3A_681, %select_n3A_671 : vector<8x2048xi1>, vector<8x2048xf32>
    %add3A_684 = arith.constant 448 : i32
    %add3A_685 = vector.broadcast %add3A_684 : i32 to vector<8x2048xi32>
    %add3A_686 = arith.addi %iota3A, %add3A_685 : vector<8x2048xi32>
    %select_n3A_687 = arith.select %lt3A_682, %add3A_686, %select_n3A_675 : vector<8x2048xi1>, vector<8x2048xi32>
    %slice3A_688 = vector.extract_strided_slice %dot_general3A_13 {offsets = [456, 0], sizes = [8, 2048], strides = [1, 1]} : vector<1024x2048xf32> to vector<8x2048xf32>
    %add3A_689 = vector.broadcast %broadcast_in_dim3A : vector<1x2048xf32> to vector<8x2048xf32>
    %add3A_690 = arith.addf %add3A_689, %slice3A_688 : vector<8x2048xf32>
    %slice3A_691 = vector.extract_strided_slice %broadcast_in_dim3A_9 {offsets = [456, 0], sizes = [8, 1], strides = [1, 1]} : vector<1024x1xf32> to vector<8x1xf32>
    %add3A_692 = vector.broadcast %slice3A_691 : vector<8x1xf32> to vector<8x2048xf32>
    %add3A_693 = arith.addf %add3A_690, %add3A_692 : vector<8x2048xf32>
    %lt3A_694 = arith.cmpf olt, %add3A_693, %select_n3A_683 : vector<8x2048xf32>
    %select_n3A_695 = arith.select %lt3A_694, %add3A_693, %select_n3A_683 : vector<8x2048xi1>, vector<8x2048xf32>
    %add3A_696 = arith.constant 456 : i32
    %add3A_697 = vector.broadcast %add3A_696 : i32 to vector<8x2048xi32>
    %add3A_698 = arith.addi %iota3A, %add3A_697 : vector<8x2048xi32>
    %select_n3A_699 = arith.select %lt3A_694, %add3A_698, %select_n3A_687 : vector<8x2048xi1>, vector<8x2048xi32>
    %slice3A_700 = vector.extract_strided_slice %dot_general3A_13 {offsets = [464, 0], sizes = [8, 2048], strides = [1, 1]} : vector<1024x2048xf32> to vector<8x2048xf32>
    %add3A_701 = vector.broadcast %broadcast_in_dim3A : vector<1x2048xf32> to vector<8x2048xf32>
    %add3A_702 = arith.addf %add3A_701, %slice3A_700 : vector<8x2048xf32>
    %slice3A_703 = vector.extract_strided_slice %broadcast_in_dim3A_9 {offsets = [464, 0], sizes = [8, 1], strides = [1, 1]} : vector<1024x1xf32> to vector<8x1xf32>
    %add3A_704 = vector.broadcast %slice3A_703 : vector<8x1xf32> to vector<8x2048xf32>
    %add3A_705 = arith.addf %add3A_702, %add3A_704 : vector<8x2048xf32>
    %lt3A_706 = arith.cmpf olt, %add3A_705, %select_n3A_695 : vector<8x2048xf32>
    %select_n3A_707 = arith.select %lt3A_706, %add3A_705, %select_n3A_695 : vector<8x2048xi1>, vector<8x2048xf32>
    %add3A_708 = arith.constant 464 : i32
    %add3A_709 = vector.broadcast %add3A_708 : i32 to vector<8x2048xi32>
    %add3A_710 = arith.addi %iota3A, %add3A_709 : vector<8x2048xi32>
    %select_n3A_711 = arith.select %lt3A_706, %add3A_710, %select_n3A_699 : vector<8x2048xi1>, vector<8x2048xi32>
    %slice3A_712 = vector.extract_strided_slice %dot_general3A_13 {offsets = [472, 0], sizes = [8, 2048], strides = [1, 1]} : vector<1024x2048xf32> to vector<8x2048xf32>
    %add3A_713 = vector.broadcast %broadcast_in_dim3A : vector<1x2048xf32> to vector<8x2048xf32>
    %add3A_714 = arith.addf %add3A_713, %slice3A_712 : vector<8x2048xf32>
    %slice3A_715 = vector.extract_strided_slice %broadcast_in_dim3A_9 {offsets = [472, 0], sizes = [8, 1], strides = [1, 1]} : vector<1024x1xf32> to vector<8x1xf32>
    %add3A_716 = vector.broadcast %slice3A_715 : vector<8x1xf32> to vector<8x2048xf32>
    %add3A_717 = arith.addf %add3A_714, %add3A_716 : vector<8x2048xf32>
    %lt3A_718 = arith.cmpf olt, %add3A_717, %select_n3A_707 : vector<8x2048xf32>
    %select_n3A_719 = arith.select %lt3A_718, %add3A_717, %select_n3A_707 : vector<8x2048xi1>, vector<8x2048xf32>
    %add3A_720 = arith.constant 472 : i32
    %add3A_721 = vector.broadcast %add3A_720 : i32 to vector<8x2048xi32>
    %add3A_722 = arith.addi %iota3A, %add3A_721 : vector<8x2048xi32>
    %select_n3A_723 = arith.select %lt3A_718, %add3A_722, %select_n3A_711 : vector<8x2048xi1>, vector<8x2048xi32>
    %slice3A_724 = vector.extract_strided_slice %dot_general3A_13 {offsets = [480, 0], sizes = [8, 2048], strides = [1, 1]} : vector<1024x2048xf32> to vector<8x2048xf32>
    %add3A_725 = vector.broadcast %broadcast_in_dim3A : vector<1x2048xf32> to vector<8x2048xf32>
    %add3A_726 = arith.addf %add3A_725, %slice3A_724 : vector<8x2048xf32>
    %slice3A_727 = vector.extract_strided_slice %broadcast_in_dim3A_9 {offsets = [480, 0], sizes = [8, 1], strides = [1, 1]} : vector<1024x1xf32> to vector<8x1xf32>
    %add3A_728 = vector.broadcast %slice3A_727 : vector<8x1xf32> to vector<8x2048xf32>
    %add3A_729 = arith.addf %add3A_726, %add3A_728 : vector<8x2048xf32>
    %lt3A_730 = arith.cmpf olt, %add3A_729, %select_n3A_719 : vector<8x2048xf32>
    %select_n3A_731 = arith.select %lt3A_730, %add3A_729, %select_n3A_719 : vector<8x2048xi1>, vector<8x2048xf32>
    %add3A_732 = arith.constant 480 : i32
    %add3A_733 = vector.broadcast %add3A_732 : i32 to vector<8x2048xi32>
    %add3A_734 = arith.addi %iota3A, %add3A_733 : vector<8x2048xi32>
    %select_n3A_735 = arith.select %lt3A_730, %add3A_734, %select_n3A_723 : vector<8x2048xi1>, vector<8x2048xi32>
    %slice3A_736 = vector.extract_strided_slice %dot_general3A_13 {offsets = [488, 0], sizes = [8, 2048], strides = [1, 1]} : vector<1024x2048xf32> to vector<8x2048xf32>
    %add3A_737 = vector.broadcast %broadcast_in_dim3A : vector<1x2048xf32> to vector<8x2048xf32>
    %add3A_738 = arith.addf %add3A_737, %slice3A_736 : vector<8x2048xf32>
    %slice3A_739 = vector.extract_strided_slice %broadcast_in_dim3A_9 {offsets = [488, 0], sizes = [8, 1], strides = [1, 1]} : vector<1024x1xf32> to vector<8x1xf32>
    %add3A_740 = vector.broadcast %slice3A_739 : vector<8x1xf32> to vector<8x2048xf32>
    %add3A_741 = arith.addf %add3A_738, %add3A_740 : vector<8x2048xf32>
    %lt3A_742 = arith.cmpf olt, %add3A_741, %select_n3A_731 : vector<8x2048xf32>
    %select_n3A_743 = arith.select %lt3A_742, %add3A_741, %select_n3A_731 : vector<8x2048xi1>, vector<8x2048xf32>
    %add3A_744 = arith.constant 488 : i32
    %add3A_745 = vector.broadcast %add3A_744 : i32 to vector<8x2048xi32>
    %add3A_746 = arith.addi %iota3A, %add3A_745 : vector<8x2048xi32>
    %select_n3A_747 = arith.select %lt3A_742, %add3A_746, %select_n3A_735 : vector<8x2048xi1>, vector<8x2048xi32>
    %slice3A_748 = vector.extract_strided_slice %dot_general3A_13 {offsets = [496, 0], sizes = [8, 2048], strides = [1, 1]} : vector<1024x2048xf32> to vector<8x2048xf32>
    %add3A_749 = vector.broadcast %broadcast_in_dim3A : vector<1x2048xf32> to vector<8x2048xf32>
    %add3A_750 = arith.addf %add3A_749, %slice3A_748 : vector<8x2048xf32>
    %slice3A_751 = vector.extract_strided_slice %broadcast_in_dim3A_9 {offsets = [496, 0], sizes = [8, 1], strides = [1, 1]} : vector<1024x1xf32> to vector<8x1xf32>
    %add3A_752 = vector.broadcast %slice3A_751 : vector<8x1xf32> to vector<8x2048xf32>
    %add3A_753 = arith.addf %add3A_750, %add3A_752 : vector<8x2048xf32>
    %lt3A_754 = arith.cmpf olt, %add3A_753, %select_n3A_743 : vector<8x2048xf32>
    %select_n3A_755 = arith.select %lt3A_754, %add3A_753, %select_n3A_743 : vector<8x2048xi1>, vector<8x2048xf32>
    %add3A_756 = arith.constant 496 : i32
    %add3A_757 = vector.broadcast %add3A_756 : i32 to vector<8x2048xi32>
    %add3A_758 = arith.addi %iota3A, %add3A_757 : vector<8x2048xi32>
    %select_n3A_759 = arith.select %lt3A_754, %add3A_758, %select_n3A_747 : vector<8x2048xi1>, vector<8x2048xi32>
    %slice3A_760 = vector.extract_strided_slice %dot_general3A_13 {offsets = [504, 0], sizes = [8, 2048], strides = [1, 1]} : vector<1024x2048xf32> to vector<8x2048xf32>
    %add3A_761 = vector.broadcast %broadcast_in_dim3A : vector<1x2048xf32> to vector<8x2048xf32>
    %add3A_762 = arith.addf %add3A_761, %slice3A_760 : vector<8x2048xf32>
    %slice3A_763 = vector.extract_strided_slice %broadcast_in_dim3A_9 {offsets = [504, 0], sizes = [8, 1], strides = [1, 1]} : vector<1024x1xf32> to vector<8x1xf32>
    %add3A_764 = vector.broadcast %slice3A_763 : vector<8x1xf32> to vector<8x2048xf32>
    %add3A_765 = arith.addf %add3A_762, %add3A_764 : vector<8x2048xf32>
    %lt3A_766 = arith.cmpf olt, %add3A_765, %select_n3A_755 : vector<8x2048xf32>
    %select_n3A_767 = arith.select %lt3A_766, %add3A_765, %select_n3A_755 : vector<8x2048xi1>, vector<8x2048xf32>
    %add3A_768 = arith.constant 504 : i32
    %add3A_769 = vector.broadcast %add3A_768 : i32 to vector<8x2048xi32>
    %add3A_770 = arith.addi %iota3A, %add3A_769 : vector<8x2048xi32>
    %select_n3A_771 = arith.select %lt3A_766, %add3A_770, %select_n3A_759 : vector<8x2048xi1>, vector<8x2048xi32>
    %slice3A_772 = vector.extract_strided_slice %dot_general3A_13 {offsets = [512, 0], sizes = [8, 2048], strides = [1, 1]} : vector<1024x2048xf32> to vector<8x2048xf32>
    %add3A_773 = vector.broadcast %broadcast_in_dim3A : vector<1x2048xf32> to vector<8x2048xf32>
    %add3A_774 = arith.addf %add3A_773, %slice3A_772 : vector<8x2048xf32>
    %slice3A_775 = vector.extract_strided_slice %broadcast_in_dim3A_9 {offsets = [512, 0], sizes = [8, 1], strides = [1, 1]} : vector<1024x1xf32> to vector<8x1xf32>
    %add3A_776 = vector.broadcast %slice3A_775 : vector<8x1xf32> to vector<8x2048xf32>
    %add3A_777 = arith.addf %add3A_774, %add3A_776 : vector<8x2048xf32>
    %lt3A_778 = arith.cmpf olt, %add3A_777, %select_n3A_767 : vector<8x2048xf32>
    %select_n3A_779 = arith.select %lt3A_778, %add3A_777, %select_n3A_767 : vector<8x2048xi1>, vector<8x2048xf32>
    %add3A_780 = arith.constant 512 : i32
    %add3A_781 = vector.broadcast %add3A_780 : i32 to vector<8x2048xi32>
    %add3A_782 = arith.addi %iota3A, %add3A_781 : vector<8x2048xi32>
    %select_n3A_783 = arith.select %lt3A_778, %add3A_782, %select_n3A_771 : vector<8x2048xi1>, vector<8x2048xi32>
    %slice3A_784 = vector.extract_strided_slice %dot_general3A_13 {offsets = [520, 0], sizes = [8, 2048], strides = [1, 1]} : vector<1024x2048xf32> to vector<8x2048xf32>
    %add3A_785 = vector.broadcast %broadcast_in_dim3A : vector<1x2048xf32> to vector<8x2048xf32>
    %add3A_786 = arith.addf %add3A_785, %slice3A_784 : vector<8x2048xf32>
    %slice3A_787 = vector.extract_strided_slice %broadcast_in_dim3A_9 {offsets = [520, 0], sizes = [8, 1], strides = [1, 1]} : vector<1024x1xf32> to vector<8x1xf32>
    %add3A_788 = vector.broadcast %slice3A_787 : vector<8x1xf32> to vector<8x2048xf32>
    %add3A_789 = arith.addf %add3A_786, %add3A_788 : vector<8x2048xf32>
    %lt3A_790 = arith.cmpf olt, %add3A_789, %select_n3A_779 : vector<8x2048xf32>
    %select_n3A_791 = arith.select %lt3A_790, %add3A_789, %select_n3A_779 : vector<8x2048xi1>, vector<8x2048xf32>
    %add3A_792 = arith.constant 520 : i32
    %add3A_793 = vector.broadcast %add3A_792 : i32 to vector<8x2048xi32>
    %add3A_794 = arith.addi %iota3A, %add3A_793 : vector<8x2048xi32>
    %select_n3A_795 = arith.select %lt3A_790, %add3A_794, %select_n3A_783 : vector<8x2048xi1>, vector<8x2048xi32>
    %slice3A_796 = vector.extract_strided_slice %dot_general3A_13 {offsets = [528, 0], sizes = [8, 2048], strides = [1, 1]} : vector<1024x2048xf32> to vector<8x2048xf32>
    %add3A_797 = vector.broadcast %broadcast_in_dim3A : vector<1x2048xf32> to vector<8x2048xf32>
    %add3A_798 = arith.addf %add3A_797, %slice3A_796 : vector<8x2048xf32>
    %slice3A_799 = vector.extract_strided_slice %broadcast_in_dim3A_9 {offsets = [528, 0], sizes = [8, 1], strides = [1, 1]} : vector<1024x1xf32> to vector<8x1xf32>
    %add3A_800 = vector.broadcast %slice3A_799 : vector<8x1xf32> to vector<8x2048xf32>
    %add3A_801 = arith.addf %add3A_798, %add3A_800 : vector<8x2048xf32>
    %lt3A_802 = arith.cmpf olt, %add3A_801, %select_n3A_791 : vector<8x2048xf32>
    %select_n3A_803 = arith.select %lt3A_802, %add3A_801, %select_n3A_791 : vector<8x2048xi1>, vector<8x2048xf32>
    %add3A_804 = arith.constant 528 : i32
    %add3A_805 = vector.broadcast %add3A_804 : i32 to vector<8x2048xi32>
    %add3A_806 = arith.addi %iota3A, %add3A_805 : vector<8x2048xi32>
    %select_n3A_807 = arith.select %lt3A_802, %add3A_806, %select_n3A_795 : vector<8x2048xi1>, vector<8x2048xi32>
    %slice3A_808 = vector.extract_strided_slice %dot_general3A_13 {offsets = [536, 0], sizes = [8, 2048], strides = [1, 1]} : vector<1024x2048xf32> to vector<8x2048xf32>
    %add3A_809 = vector.broadcast %broadcast_in_dim3A : vector<1x2048xf32> to vector<8x2048xf32>
    %add3A_810 = arith.addf %add3A_809, %slice3A_808 : vector<8x2048xf32>
    %slice3A_811 = vector.extract_strided_slice %broadcast_in_dim3A_9 {offsets = [536, 0], sizes = [8, 1], strides = [1, 1]} : vector<1024x1xf32> to vector<8x1xf32>
    %add3A_812 = vector.broadcast %slice3A_811 : vector<8x1xf32> to vector<8x2048xf32>
    %add3A_813 = arith.addf %add3A_810, %add3A_812 : vector<8x2048xf32>
    %lt3A_814 = arith.cmpf olt, %add3A_813, %select_n3A_803 : vector<8x2048xf32>
    %select_n3A_815 = arith.select %lt3A_814, %add3A_813, %select_n3A_803 : vector<8x2048xi1>, vector<8x2048xf32>
    %add3A_816 = arith.constant 536 : i32
    %add3A_817 = vector.broadcast %add3A_816 : i32 to vector<8x2048xi32>
    %add3A_818 = arith.addi %iota3A, %add3A_817 : vector<8x2048xi32>
    %select_n3A_819 = arith.select %lt3A_814, %add3A_818, %select_n3A_807 : vector<8x2048xi1>, vector<8x2048xi32>
    %slice3A_820 = vector.extract_strided_slice %dot_general3A_13 {offsets = [544, 0], sizes = [8, 2048], strides = [1, 1]} : vector<1024x2048xf32> to vector<8x2048xf32>
    %add3A_821 = vector.broadcast %broadcast_in_dim3A : vector<1x2048xf32> to vector<8x2048xf32>
    %add3A_822 = arith.addf %add3A_821, %slice3A_820 : vector<8x2048xf32>
    %slice3A_823 = vector.extract_strided_slice %broadcast_in_dim3A_9 {offsets = [544, 0], sizes = [8, 1], strides = [1, 1]} : vector<1024x1xf32> to vector<8x1xf32>
    %add3A_824 = vector.broadcast %slice3A_823 : vector<8x1xf32> to vector<8x2048xf32>
    %add3A_825 = arith.addf %add3A_822, %add3A_824 : vector<8x2048xf32>
    %lt3A_826 = arith.cmpf olt, %add3A_825, %select_n3A_815 : vector<8x2048xf32>
    %select_n3A_827 = arith.select %lt3A_826, %add3A_825, %select_n3A_815 : vector<8x2048xi1>, vector<8x2048xf32>
    %add3A_828 = arith.constant 544 : i32
    %add3A_829 = vector.broadcast %add3A_828 : i32 to vector<8x2048xi32>
    %add3A_830 = arith.addi %iota3A, %add3A_829 : vector<8x2048xi32>
    %select_n3A_831 = arith.select %lt3A_826, %add3A_830, %select_n3A_819 : vector<8x2048xi1>, vector<8x2048xi32>
    %slice3A_832 = vector.extract_strided_slice %dot_general3A_13 {offsets = [552, 0], sizes = [8, 2048], strides = [1, 1]} : vector<1024x2048xf32> to vector<8x2048xf32>
    %add3A_833 = vector.broadcast %broadcast_in_dim3A : vector<1x2048xf32> to vector<8x2048xf32>
    %add3A_834 = arith.addf %add3A_833, %slice3A_832 : vector<8x2048xf32>
    %slice3A_835 = vector.extract_strided_slice %broadcast_in_dim3A_9 {offsets = [552, 0], sizes = [8, 1], strides = [1, 1]} : vector<1024x1xf32> to vector<8x1xf32>
    %add3A_836 = vector.broadcast %slice3A_835 : vector<8x1xf32> to vector<8x2048xf32>
    %add3A_837 = arith.addf %add3A_834, %add3A_836 : vector<8x2048xf32>
    %lt3A_838 = arith.cmpf olt, %add3A_837, %select_n3A_827 : vector<8x2048xf32>
    %select_n3A_839 = arith.select %lt3A_838, %add3A_837, %select_n3A_827 : vector<8x2048xi1>, vector<8x2048xf32>
    %add3A_840 = arith.constant 552 : i32
    %add3A_841 = vector.broadcast %add3A_840 : i32 to vector<8x2048xi32>
    %add3A_842 = arith.addi %iota3A, %add3A_841 : vector<8x2048xi32>
    %select_n3A_843 = arith.select %lt3A_838, %add3A_842, %select_n3A_831 : vector<8x2048xi1>, vector<8x2048xi32>
    %slice3A_844 = vector.extract_strided_slice %dot_general3A_13 {offsets = [560, 0], sizes = [8, 2048], strides = [1, 1]} : vector<1024x2048xf32> to vector<8x2048xf32>
    %add3A_845 = vector.broadcast %broadcast_in_dim3A : vector<1x2048xf32> to vector<8x2048xf32>
    %add3A_846 = arith.addf %add3A_845, %slice3A_844 : vector<8x2048xf32>
    %slice3A_847 = vector.extract_strided_slice %broadcast_in_dim3A_9 {offsets = [560, 0], sizes = [8, 1], strides = [1, 1]} : vector<1024x1xf32> to vector<8x1xf32>
    %add3A_848 = vector.broadcast %slice3A_847 : vector<8x1xf32> to vector<8x2048xf32>
    %add3A_849 = arith.addf %add3A_846, %add3A_848 : vector<8x2048xf32>
    %lt3A_850 = arith.cmpf olt, %add3A_849, %select_n3A_839 : vector<8x2048xf32>
    %select_n3A_851 = arith.select %lt3A_850, %add3A_849, %select_n3A_839 : vector<8x2048xi1>, vector<8x2048xf32>
    %add3A_852 = arith.constant 560 : i32
    %add3A_853 = vector.broadcast %add3A_852 : i32 to vector<8x2048xi32>
    %add3A_854 = arith.addi %iota3A, %add3A_853 : vector<8x2048xi32>
    %select_n3A_855 = arith.select %lt3A_850, %add3A_854, %select_n3A_843 : vector<8x2048xi1>, vector<8x2048xi32>
    %slice3A_856 = vector.extract_strided_slice %dot_general3A_13 {offsets = [568, 0], sizes = [8, 2048], strides = [1, 1]} : vector<1024x2048xf32> to vector<8x2048xf32>
    %add3A_857 = vector.broadcast %broadcast_in_dim3A : vector<1x2048xf32> to vector<8x2048xf32>
    %add3A_858 = arith.addf %add3A_857, %slice3A_856 : vector<8x2048xf32>
    %slice3A_859 = vector.extract_strided_slice %broadcast_in_dim3A_9 {offsets = [568, 0], sizes = [8, 1], strides = [1, 1]} : vector<1024x1xf32> to vector<8x1xf32>
    %add3A_860 = vector.broadcast %slice3A_859 : vector<8x1xf32> to vector<8x2048xf32>
    %add3A_861 = arith.addf %add3A_858, %add3A_860 : vector<8x2048xf32>
    %lt3A_862 = arith.cmpf olt, %add3A_861, %select_n3A_851 : vector<8x2048xf32>
    %select_n3A_863 = arith.select %lt3A_862, %add3A_861, %select_n3A_851 : vector<8x2048xi1>, vector<8x2048xf32>
    %add3A_864 = arith.constant 568 : i32
    %add3A_865 = vector.broadcast %add3A_864 : i32 to vector<8x2048xi32>
    %add3A_866 = arith.addi %iota3A, %add3A_865 : vector<8x2048xi32>
    %select_n3A_867 = arith.select %lt3A_862, %add3A_866, %select_n3A_855 : vector<8x2048xi1>, vector<8x2048xi32>
    %slice3A_868 = vector.extract_strided_slice %dot_general3A_13 {offsets = [576, 0], sizes = [8, 2048], strides = [1, 1]} : vector<1024x2048xf32> to vector<8x2048xf32>
    %add3A_869 = vector.broadcast %broadcast_in_dim3A : vector<1x2048xf32> to vector<8x2048xf32>
    %add3A_870 = arith.addf %add3A_869, %slice3A_868 : vector<8x2048xf32>
    %slice3A_871 = vector.extract_strided_slice %broadcast_in_dim3A_9 {offsets = [576, 0], sizes = [8, 1], strides = [1, 1]} : vector<1024x1xf32> to vector<8x1xf32>
    %add3A_872 = vector.broadcast %slice3A_871 : vector<8x1xf32> to vector<8x2048xf32>
    %add3A_873 = arith.addf %add3A_870, %add3A_872 : vector<8x2048xf32>
    %lt3A_874 = arith.cmpf olt, %add3A_873, %select_n3A_863 : vector<8x2048xf32>
    %select_n3A_875 = arith.select %lt3A_874, %add3A_873, %select_n3A_863 : vector<8x2048xi1>, vector<8x2048xf32>
    %add3A_876 = arith.constant 576 : i32
    %add3A_877 = vector.broadcast %add3A_876 : i32 to vector<8x2048xi32>
    %add3A_878 = arith.addi %iota3A, %add3A_877 : vector<8x2048xi32>
    %select_n3A_879 = arith.select %lt3A_874, %add3A_878, %select_n3A_867 : vector<8x2048xi1>, vector<8x2048xi32>
    %slice3A_880 = vector.extract_strided_slice %dot_general3A_13 {offsets = [584, 0], sizes = [8, 2048], strides = [1, 1]} : vector<1024x2048xf32> to vector<8x2048xf32>
    %add3A_881 = vector.broadcast %broadcast_in_dim3A : vector<1x2048xf32> to vector<8x2048xf32>
    %add3A_882 = arith.addf %add3A_881, %slice3A_880 : vector<8x2048xf32>
    %slice3A_883 = vector.extract_strided_slice %broadcast_in_dim3A_9 {offsets = [584, 0], sizes = [8, 1], strides = [1, 1]} : vector<1024x1xf32> to vector<8x1xf32>
    %add3A_884 = vector.broadcast %slice3A_883 : vector<8x1xf32> to vector<8x2048xf32>
    %add3A_885 = arith.addf %add3A_882, %add3A_884 : vector<8x2048xf32>
    %lt3A_886 = arith.cmpf olt, %add3A_885, %select_n3A_875 : vector<8x2048xf32>
    %select_n3A_887 = arith.select %lt3A_886, %add3A_885, %select_n3A_875 : vector<8x2048xi1>, vector<8x2048xf32>
    %add3A_888 = arith.constant 584 : i32
    %add3A_889 = vector.broadcast %add3A_888 : i32 to vector<8x2048xi32>
    %add3A_890 = arith.addi %iota3A, %add3A_889 : vector<8x2048xi32>
    %select_n3A_891 = arith.select %lt3A_886, %add3A_890, %select_n3A_879 : vector<8x2048xi1>, vector<8x2048xi32>
    %slice3A_892 = vector.extract_strided_slice %dot_general3A_13 {offsets = [592, 0], sizes = [8, 2048], strides = [1, 1]} : vector<1024x2048xf32> to vector<8x2048xf32>
    %add3A_893 = vector.broadcast %broadcast_in_dim3A : vector<1x2048xf32> to vector<8x2048xf32>
    %add3A_894 = arith.addf %add3A_893, %slice3A_892 : vector<8x2048xf32>
    %slice3A_895 = vector.extract_strided_slice %broadcast_in_dim3A_9 {offsets = [592, 0], sizes = [8, 1], strides = [1, 1]} : vector<1024x1xf32> to vector<8x1xf32>
    %add3A_896 = vector.broadcast %slice3A_895 : vector<8x1xf32> to vector<8x2048xf32>
    %add3A_897 = arith.addf %add3A_894, %add3A_896 : vector<8x2048xf32>
    %lt3A_898 = arith.cmpf olt, %add3A_897, %select_n3A_887 : vector<8x2048xf32>
    %select_n3A_899 = arith.select %lt3A_898, %add3A_897, %select_n3A_887 : vector<8x2048xi1>, vector<8x2048xf32>
    %add3A_900 = arith.constant 592 : i32
    %add3A_901 = vector.broadcast %add3A_900 : i32 to vector<8x2048xi32>
    %add3A_902 = arith.addi %iota3A, %add3A_901 : vector<8x2048xi32>
    %select_n3A_903 = arith.select %lt3A_898, %add3A_902, %select_n3A_891 : vector<8x2048xi1>, vector<8x2048xi32>
    %slice3A_904 = vector.extract_strided_slice %dot_general3A_13 {offsets = [600, 0], sizes = [8, 2048], strides = [1, 1]} : vector<1024x2048xf32> to vector<8x2048xf32>
    %add3A_905 = vector.broadcast %broadcast_in_dim3A : vector<1x2048xf32> to vector<8x2048xf32>
    %add3A_906 = arith.addf %add3A_905, %slice3A_904 : vector<8x2048xf32>
    %slice3A_907 = vector.extract_strided_slice %broadcast_in_dim3A_9 {offsets = [600, 0], sizes = [8, 1], strides = [1, 1]} : vector<1024x1xf32> to vector<8x1xf32>
    %add3A_908 = vector.broadcast %slice3A_907 : vector<8x1xf32> to vector<8x2048xf32>
    %add3A_909 = arith.addf %add3A_906, %add3A_908 : vector<8x2048xf32>
    %lt3A_910 = arith.cmpf olt, %add3A_909, %select_n3A_899 : vector<8x2048xf32>
    %select_n3A_911 = arith.select %lt3A_910, %add3A_909, %select_n3A_899 : vector<8x2048xi1>, vector<8x2048xf32>
    %add3A_912 = arith.constant 600 : i32
    %add3A_913 = vector.broadcast %add3A_912 : i32 to vector<8x2048xi32>
    %add3A_914 = arith.addi %iota3A, %add3A_913 : vector<8x2048xi32>
    %select_n3A_915 = arith.select %lt3A_910, %add3A_914, %select_n3A_903 : vector<8x2048xi1>, vector<8x2048xi32>
    %slice3A_916 = vector.extract_strided_slice %dot_general3A_13 {offsets = [608, 0], sizes = [8, 2048], strides = [1, 1]} : vector<1024x2048xf32> to vector<8x2048xf32>
    %add3A_917 = vector.broadcast %broadcast_in_dim3A : vector<1x2048xf32> to vector<8x2048xf32>
    %add3A_918 = arith.addf %add3A_917, %slice3A_916 : vector<8x2048xf32>
    %slice3A_919 = vector.extract_strided_slice %broadcast_in_dim3A_9 {offsets = [608, 0], sizes = [8, 1], strides = [1, 1]} : vector<1024x1xf32> to vector<8x1xf32>
    %add3A_920 = vector.broadcast %slice3A_919 : vector<8x1xf32> to vector<8x2048xf32>
    %add3A_921 = arith.addf %add3A_918, %add3A_920 : vector<8x2048xf32>
    %lt3A_922 = arith.cmpf olt, %add3A_921, %select_n3A_911 : vector<8x2048xf32>
    %select_n3A_923 = arith.select %lt3A_922, %add3A_921, %select_n3A_911 : vector<8x2048xi1>, vector<8x2048xf32>
    %add3A_924 = arith.constant 608 : i32
    %add3A_925 = vector.broadcast %add3A_924 : i32 to vector<8x2048xi32>
    %add3A_926 = arith.addi %iota3A, %add3A_925 : vector<8x2048xi32>
    %select_n3A_927 = arith.select %lt3A_922, %add3A_926, %select_n3A_915 : vector<8x2048xi1>, vector<8x2048xi32>
    %slice3A_928 = vector.extract_strided_slice %dot_general3A_13 {offsets = [616, 0], sizes = [8, 2048], strides = [1, 1]} : vector<1024x2048xf32> to vector<8x2048xf32>
    %add3A_929 = vector.broadcast %broadcast_in_dim3A : vector<1x2048xf32> to vector<8x2048xf32>
    %add3A_930 = arith.addf %add3A_929, %slice3A_928 : vector<8x2048xf32>
    %slice3A_931 = vector.extract_strided_slice %broadcast_in_dim3A_9 {offsets = [616, 0], sizes = [8, 1], strides = [1, 1]} : vector<1024x1xf32> to vector<8x1xf32>
    %add3A_932 = vector.broadcast %slice3A_931 : vector<8x1xf32> to vector<8x2048xf32>
    %add3A_933 = arith.addf %add3A_930, %add3A_932 : vector<8x2048xf32>
    %lt3A_934 = arith.cmpf olt, %add3A_933, %select_n3A_923 : vector<8x2048xf32>
    %select_n3A_935 = arith.select %lt3A_934, %add3A_933, %select_n3A_923 : vector<8x2048xi1>, vector<8x2048xf32>
    %add3A_936 = arith.constant 616 : i32
    %add3A_937 = vector.broadcast %add3A_936 : i32 to vector<8x2048xi32>
    %add3A_938 = arith.addi %iota3A, %add3A_937 : vector<8x2048xi32>
    %select_n3A_939 = arith.select %lt3A_934, %add3A_938, %select_n3A_927 : vector<8x2048xi1>, vector<8x2048xi32>
    %slice3A_940 = vector.extract_strided_slice %dot_general3A_13 {offsets = [624, 0], sizes = [8, 2048], strides = [1, 1]} : vector<1024x2048xf32> to vector<8x2048xf32>
    %add3A_941 = vector.broadcast %broadcast_in_dim3A : vector<1x2048xf32> to vector<8x2048xf32>
    %add3A_942 = arith.addf %add3A_941, %slice3A_940 : vector<8x2048xf32>
    %slice3A_943 = vector.extract_strided_slice %broadcast_in_dim3A_9 {offsets = [624, 0], sizes = [8, 1], strides = [1, 1]} : vector<1024x1xf32> to vector<8x1xf32>
    %add3A_944 = vector.broadcast %slice3A_943 : vector<8x1xf32> to vector<8x2048xf32>
    %add3A_945 = arith.addf %add3A_942, %add3A_944 : vector<8x2048xf32>
    %lt3A_946 = arith.cmpf olt, %add3A_945, %select_n3A_935 : vector<8x2048xf32>
    %select_n3A_947 = arith.select %lt3A_946, %add3A_945, %select_n3A_935 : vector<8x2048xi1>, vector<8x2048xf32>
    %add3A_948 = arith.constant 624 : i32
    %add3A_949 = vector.broadcast %add3A_948 : i32 to vector<8x2048xi32>
    %add3A_950 = arith.addi %iota3A, %add3A_949 : vector<8x2048xi32>
    %select_n3A_951 = arith.select %lt3A_946, %add3A_950, %select_n3A_939 : vector<8x2048xi1>, vector<8x2048xi32>
    %slice3A_952 = vector.extract_strided_slice %dot_general3A_13 {offsets = [632, 0], sizes = [8, 2048], strides = [1, 1]} : vector<1024x2048xf32> to vector<8x2048xf32>
    %add3A_953 = vector.broadcast %broadcast_in_dim3A : vector<1x2048xf32> to vector<8x2048xf32>
    %add3A_954 = arith.addf %add3A_953, %slice3A_952 : vector<8x2048xf32>
    %slice3A_955 = vector.extract_strided_slice %broadcast_in_dim3A_9 {offsets = [632, 0], sizes = [8, 1], strides = [1, 1]} : vector<1024x1xf32> to vector<8x1xf32>
    %add3A_956 = vector.broadcast %slice3A_955 : vector<8x1xf32> to vector<8x2048xf32>
    %add3A_957 = arith.addf %add3A_954, %add3A_956 : vector<8x2048xf32>
    %lt3A_958 = arith.cmpf olt, %add3A_957, %select_n3A_947 : vector<8x2048xf32>
    %select_n3A_959 = arith.select %lt3A_958, %add3A_957, %select_n3A_947 : vector<8x2048xi1>, vector<8x2048xf32>
    %add3A_960 = arith.constant 632 : i32
    %add3A_961 = vector.broadcast %add3A_960 : i32 to vector<8x2048xi32>
    %add3A_962 = arith.addi %iota3A, %add3A_961 : vector<8x2048xi32>
    %select_n3A_963 = arith.select %lt3A_958, %add3A_962, %select_n3A_951 : vector<8x2048xi1>, vector<8x2048xi32>
    %slice3A_964 = vector.extract_strided_slice %dot_general3A_13 {offsets = [640, 0], sizes = [8, 2048], strides = [1, 1]} : vector<1024x2048xf32> to vector<8x2048xf32>
    %add3A_965 = vector.broadcast %broadcast_in_dim3A : vector<1x2048xf32> to vector<8x2048xf32>
    %add3A_966 = arith.addf %add3A_965, %slice3A_964 : vector<8x2048xf32>
    %slice3A_967 = vector.extract_strided_slice %broadcast_in_dim3A_9 {offsets = [640, 0], sizes = [8, 1], strides = [1, 1]} : vector<1024x1xf32> to vector<8x1xf32>
    %add3A_968 = vector.broadcast %slice3A_967 : vector<8x1xf32> to vector<8x2048xf32>
    %add3A_969 = arith.addf %add3A_966, %add3A_968 : vector<8x2048xf32>
    %lt3A_970 = arith.cmpf olt, %add3A_969, %select_n3A_959 : vector<8x2048xf32>
    %select_n3A_971 = arith.select %lt3A_970, %add3A_969, %select_n3A_959 : vector<8x2048xi1>, vector<8x2048xf32>
    %add3A_972 = arith.constant 640 : i32
    %add3A_973 = vector.broadcast %add3A_972 : i32 to vector<8x2048xi32>
    %add3A_974 = arith.addi %iota3A, %add3A_973 : vector<8x2048xi32>
    %select_n3A_975 = arith.select %lt3A_970, %add3A_974, %select_n3A_963 : vector<8x2048xi1>, vector<8x2048xi32>
    %slice3A_976 = vector.extract_strided_slice %dot_general3A_13 {offsets = [648, 0], sizes = [8, 2048], strides = [1, 1]} : vector<1024x2048xf32> to vector<8x2048xf32>
    %add3A_977 = vector.broadcast %broadcast_in_dim3A : vector<1x2048xf32> to vector<8x2048xf32>
    %add3A_978 = arith.addf %add3A_977, %slice3A_976 : vector<8x2048xf32>
    %slice3A_979 = vector.extract_strided_slice %broadcast_in_dim3A_9 {offsets = [648, 0], sizes = [8, 1], strides = [1, 1]} : vector<1024x1xf32> to vector<8x1xf32>
    %add3A_980 = vector.broadcast %slice3A_979 : vector<8x1xf32> to vector<8x2048xf32>
    %add3A_981 = arith.addf %add3A_978, %add3A_980 : vector<8x2048xf32>
    %lt3A_982 = arith.cmpf olt, %add3A_981, %select_n3A_971 : vector<8x2048xf32>
    %select_n3A_983 = arith.select %lt3A_982, %add3A_981, %select_n3A_971 : vector<8x2048xi1>, vector<8x2048xf32>
    %add3A_984 = arith.constant 648 : i32
    %add3A_985 = vector.broadcast %add3A_984 : i32 to vector<8x2048xi32>
    %add3A_986 = arith.addi %iota3A, %add3A_985 : vector<8x2048xi32>
    %select_n3A_987 = arith.select %lt3A_982, %add3A_986, %select_n3A_975 : vector<8x2048xi1>, vector<8x2048xi32>
    %slice3A_988 = vector.extract_strided_slice %dot_general3A_13 {offsets = [656, 0], sizes = [8, 2048], strides = [1, 1]} : vector<1024x2048xf32> to vector<8x2048xf32>
    %add3A_989 = vector.broadcast %broadcast_in_dim3A : vector<1x2048xf32> to vector<8x2048xf32>
    %add3A_990 = arith.addf %add3A_989, %slice3A_988 : vector<8x2048xf32>
    %slice3A_991 = vector.extract_strided_slice %broadcast_in_dim3A_9 {offsets = [656, 0], sizes = [8, 1], strides = [1, 1]} : vector<1024x1xf32> to vector<8x1xf32>
    %add3A_992 = vector.broadcast %slice3A_991 : vector<8x1xf32> to vector<8x2048xf32>
    %add3A_993 = arith.addf %add3A_990, %add3A_992 : vector<8x2048xf32>
    %lt3A_994 = arith.cmpf olt, %add3A_993, %select_n3A_983 : vector<8x2048xf32>
    %select_n3A_995 = arith.select %lt3A_994, %add3A_993, %select_n3A_983 : vector<8x2048xi1>, vector<8x2048xf32>
    %add3A_996 = arith.constant 656 : i32
    %add3A_997 = vector.broadcast %add3A_996 : i32 to vector<8x2048xi32>
    %add3A_998 = arith.addi %iota3A, %add3A_997 : vector<8x2048xi32>
    %select_n3A_999 = arith.select %lt3A_994, %add3A_998, %select_n3A_987 : vector<8x2048xi1>, vector<8x2048xi32>
    %slice3A_1000 = vector.extract_strided_slice %dot_general3A_13 {offsets = [664, 0], sizes = [8, 2048], strides = [1, 1]} : vector<1024x2048xf32> to vector<8x2048xf32>
    %add3A_1001 = vector.broadcast %broadcast_in_dim3A : vector<1x2048xf32> to vector<8x2048xf32>
    %add3A_1002 = arith.addf %add3A_1001, %slice3A_1000 : vector<8x2048xf32>
    %slice3A_1003 = vector.extract_strided_slice %broadcast_in_dim3A_9 {offsets = [664, 0], sizes = [8, 1], strides = [1, 1]} : vector<1024x1xf32> to vector<8x1xf32>
    %add3A_1004 = vector.broadcast %slice3A_1003 : vector<8x1xf32> to vector<8x2048xf32>
    %add3A_1005 = arith.addf %add3A_1002, %add3A_1004 : vector<8x2048xf32>
    %lt3A_1006 = arith.cmpf olt, %add3A_1005, %select_n3A_995 : vector<8x2048xf32>
    %select_n3A_1007 = arith.select %lt3A_1006, %add3A_1005, %select_n3A_995 : vector<8x2048xi1>, vector<8x2048xf32>
    %add3A_1008 = arith.constant 664 : i32
    %add3A_1009 = vector.broadcast %add3A_1008 : i32 to vector<8x2048xi32>
    %add3A_1010 = arith.addi %iota3A, %add3A_1009 : vector<8x2048xi32>
    %select_n3A_1011 = arith.select %lt3A_1006, %add3A_1010, %select_n3A_999 : vector<8x2048xi1>, vector<8x2048xi32>
    %slice3A_1012 = vector.extract_strided_slice %dot_general3A_13 {offsets = [672, 0], sizes = [8, 2048], strides = [1, 1]} : vector<1024x2048xf32> to vector<8x2048xf32>
    %add3A_1013 = vector.broadcast %broadcast_in_dim3A : vector<1x2048xf32> to vector<8x2048xf32>
    %add3A_1014 = arith.addf %add3A_1013, %slice3A_1012 : vector<8x2048xf32>
    %slice3A_1015 = vector.extract_strided_slice %broadcast_in_dim3A_9 {offsets = [672, 0], sizes = [8, 1], strides = [1, 1]} : vector<1024x1xf32> to vector<8x1xf32>
    %add3A_1016 = vector.broadcast %slice3A_1015 : vector<8x1xf32> to vector<8x2048xf32>
    %add3A_1017 = arith.addf %add3A_1014, %add3A_1016 : vector<8x2048xf32>
    %lt3A_1018 = arith.cmpf olt, %add3A_1017, %select_n3A_1007 : vector<8x2048xf32>
    %select_n3A_1019 = arith.select %lt3A_1018, %add3A_1017, %select_n3A_1007 : vector<8x2048xi1>, vector<8x2048xf32>
    %add3A_1020 = arith.constant 672 : i32
    %add3A_1021 = vector.broadcast %add3A_1020 : i32 to vector<8x2048xi32>
    %add3A_1022 = arith.addi %iota3A, %add3A_1021 : vector<8x2048xi32>
    %select_n3A_1023 = arith.select %lt3A_1018, %add3A_1022, %select_n3A_1011 : vector<8x2048xi1>, vector<8x2048xi32>
    %slice3A_1024 = vector.extract_strided_slice %dot_general3A_13 {offsets = [680, 0], sizes = [8, 2048], strides = [1, 1]} : vector<1024x2048xf32> to vector<8x2048xf32>
    %add3A_1025 = vector.broadcast %broadcast_in_dim3A : vector<1x2048xf32> to vector<8x2048xf32>
    %add3A_1026 = arith.addf %add3A_1025, %slice3A_1024 : vector<8x2048xf32>
    %slice3A_1027 = vector.extract_strided_slice %broadcast_in_dim3A_9 {offsets = [680, 0], sizes = [8, 1], strides = [1, 1]} : vector<1024x1xf32> to vector<8x1xf32>
    %add3A_1028 = vector.broadcast %slice3A_1027 : vector<8x1xf32> to vector<8x2048xf32>
    %add3A_1029 = arith.addf %add3A_1026, %add3A_1028 : vector<8x2048xf32>
    %lt3A_1030 = arith.cmpf olt, %add3A_1029, %select_n3A_1019 : vector<8x2048xf32>
    %select_n3A_1031 = arith.select %lt3A_1030, %add3A_1029, %select_n3A_1019 : vector<8x2048xi1>, vector<8x2048xf32>
    %add3A_1032 = arith.constant 680 : i32
    %add3A_1033 = vector.broadcast %add3A_1032 : i32 to vector<8x2048xi32>
    %add3A_1034 = arith.addi %iota3A, %add3A_1033 : vector<8x2048xi32>
    %select_n3A_1035 = arith.select %lt3A_1030, %add3A_1034, %select_n3A_1023 : vector<8x2048xi1>, vector<8x2048xi32>
    %slice3A_1036 = vector.extract_strided_slice %dot_general3A_13 {offsets = [688, 0], sizes = [8, 2048], strides = [1, 1]} : vector<1024x2048xf32> to vector<8x2048xf32>
    %add3A_1037 = vector.broadcast %broadcast_in_dim3A : vector<1x2048xf32> to vector<8x2048xf32>
    %add3A_1038 = arith.addf %add3A_1037, %slice3A_1036 : vector<8x2048xf32>
    %slice3A_1039 = vector.extract_strided_slice %broadcast_in_dim3A_9 {offsets = [688, 0], sizes = [8, 1], strides = [1, 1]} : vector<1024x1xf32> to vector<8x1xf32>
    %add3A_1040 = vector.broadcast %slice3A_1039 : vector<8x1xf32> to vector<8x2048xf32>
    %add3A_1041 = arith.addf %add3A_1038, %add3A_1040 : vector<8x2048xf32>
    %lt3A_1042 = arith.cmpf olt, %add3A_1041, %select_n3A_1031 : vector<8x2048xf32>
    %select_n3A_1043 = arith.select %lt3A_1042, %add3A_1041, %select_n3A_1031 : vector<8x2048xi1>, vector<8x2048xf32>
    %add3A_1044 = arith.constant 688 : i32
    %add3A_1045 = vector.broadcast %add3A_1044 : i32 to vector<8x2048xi32>
    %add3A_1046 = arith.addi %iota3A, %add3A_1045 : vector<8x2048xi32>
    %select_n3A_1047 = arith.select %lt3A_1042, %add3A_1046, %select_n3A_1035 : vector<8x2048xi1>, vector<8x2048xi32>
    %slice3A_1048 = vector.extract_strided_slice %dot_general3A_13 {offsets = [696, 0], sizes = [8, 2048], strides = [1, 1]} : vector<1024x2048xf32> to vector<8x2048xf32>
    %add3A_1049 = vector.broadcast %broadcast_in_dim3A : vector<1x2048xf32> to vector<8x2048xf32>
    %add3A_1050 = arith.addf %add3A_1049, %slice3A_1048 : vector<8x2048xf32>
    %slice3A_1051 = vector.extract_strided_slice %broadcast_in_dim3A_9 {offsets = [696, 0], sizes = [8, 1], strides = [1, 1]} : vector<1024x1xf32> to vector<8x1xf32>
    %add3A_1052 = vector.broadcast %slice3A_1051 : vector<8x1xf32> to vector<8x2048xf32>
    %add3A_1053 = arith.addf %add3A_1050, %add3A_1052 : vector<8x2048xf32>
    %lt3A_1054 = arith.cmpf olt, %add3A_1053, %select_n3A_1043 : vector<8x2048xf32>
    %select_n3A_1055 = arith.select %lt3A_1054, %add3A_1053, %select_n3A_1043 : vector<8x2048xi1>, vector<8x2048xf32>
    %add3A_1056 = arith.constant 696 : i32
    %add3A_1057 = vector.broadcast %add3A_1056 : i32 to vector<8x2048xi32>
    %add3A_1058 = arith.addi %iota3A, %add3A_1057 : vector<8x2048xi32>
    %select_n3A_1059 = arith.select %lt3A_1054, %add3A_1058, %select_n3A_1047 : vector<8x2048xi1>, vector<8x2048xi32>
    %slice3A_1060 = vector.extract_strided_slice %dot_general3A_13 {offsets = [704, 0], sizes = [8, 2048], strides = [1, 1]} : vector<1024x2048xf32> to vector<8x2048xf32>
    %add3A_1061 = vector.broadcast %broadcast_in_dim3A : vector<1x2048xf32> to vector<8x2048xf32>
    %add3A_1062 = arith.addf %add3A_1061, %slice3A_1060 : vector<8x2048xf32>
    %slice3A_1063 = vector.extract_strided_slice %broadcast_in_dim3A_9 {offsets = [704, 0], sizes = [8, 1], strides = [1, 1]} : vector<1024x1xf32> to vector<8x1xf32>
    %add3A_1064 = vector.broadcast %slice3A_1063 : vector<8x1xf32> to vector<8x2048xf32>
    %add3A_1065 = arith.addf %add3A_1062, %add3A_1064 : vector<8x2048xf32>
    %lt3A_1066 = arith.cmpf olt, %add3A_1065, %select_n3A_1055 : vector<8x2048xf32>
    %select_n3A_1067 = arith.select %lt3A_1066, %add3A_1065, %select_n3A_1055 : vector<8x2048xi1>, vector<8x2048xf32>
    %add3A_1068 = arith.constant 704 : i32
    %add3A_1069 = vector.broadcast %add3A_1068 : i32 to vector<8x2048xi32>
    %add3A_1070 = arith.addi %iota3A, %add3A_1069 : vector<8x2048xi32>
    %select_n3A_1071 = arith.select %lt3A_1066, %add3A_1070, %select_n3A_1059 : vector<8x2048xi1>, vector<8x2048xi32>
    %slice3A_1072 = vector.extract_strided_slice %dot_general3A_13 {offsets = [712, 0], sizes = [8, 2048], strides = [1, 1]} : vector<1024x2048xf32> to vector<8x2048xf32>
    %add3A_1073 = vector.broadcast %broadcast_in_dim3A : vector<1x2048xf32> to vector<8x2048xf32>
    %add3A_1074 = arith.addf %add3A_1073, %slice3A_1072 : vector<8x2048xf32>
    %slice3A_1075 = vector.extract_strided_slice %broadcast_in_dim3A_9 {offsets = [712, 0], sizes = [8, 1], strides = [1, 1]} : vector<1024x1xf32> to vector<8x1xf32>
    %add3A_1076 = vector.broadcast %slice3A_1075 : vector<8x1xf32> to vector<8x2048xf32>
    %add3A_1077 = arith.addf %add3A_1074, %add3A_1076 : vector<8x2048xf32>
    %lt3A_1078 = arith.cmpf olt, %add3A_1077, %select_n3A_1067 : vector<8x2048xf32>
    %select_n3A_1079 = arith.select %lt3A_1078, %add3A_1077, %select_n3A_1067 : vector<8x2048xi1>, vector<8x2048xf32>
    %add3A_1080 = arith.constant 712 : i32
    %add3A_1081 = vector.broadcast %add3A_1080 : i32 to vector<8x2048xi32>
    %add3A_1082 = arith.addi %iota3A, %add3A_1081 : vector<8x2048xi32>
    %select_n3A_1083 = arith.select %lt3A_1078, %add3A_1082, %select_n3A_1071 : vector<8x2048xi1>, vector<8x2048xi32>
    %slice3A_1084 = vector.extract_strided_slice %dot_general3A_13 {offsets = [720, 0], sizes = [8, 2048], strides = [1, 1]} : vector<1024x2048xf32> to vector<8x2048xf32>
    %add3A_1085 = vector.broadcast %broadcast_in_dim3A : vector<1x2048xf32> to vector<8x2048xf32>
    %add3A_1086 = arith.addf %add3A_1085, %slice3A_1084 : vector<8x2048xf32>
    %slice3A_1087 = vector.extract_strided_slice %broadcast_in_dim3A_9 {offsets = [720, 0], sizes = [8, 1], strides = [1, 1]} : vector<1024x1xf32> to vector<8x1xf32>
    %add3A_1088 = vector.broadcast %slice3A_1087 : vector<8x1xf32> to vector<8x2048xf32>
    %add3A_1089 = arith.addf %add3A_1086, %add3A_1088 : vector<8x2048xf32>
    %lt3A_1090 = arith.cmpf olt, %add3A_1089, %select_n3A_1079 : vector<8x2048xf32>
    %select_n3A_1091 = arith.select %lt3A_1090, %add3A_1089, %select_n3A_1079 : vector<8x2048xi1>, vector<8x2048xf32>
    %add3A_1092 = arith.constant 720 : i32
    %add3A_1093 = vector.broadcast %add3A_1092 : i32 to vector<8x2048xi32>
    %add3A_1094 = arith.addi %iota3A, %add3A_1093 : vector<8x2048xi32>
    %select_n3A_1095 = arith.select %lt3A_1090, %add3A_1094, %select_n3A_1083 : vector<8x2048xi1>, vector<8x2048xi32>
    %slice3A_1096 = vector.extract_strided_slice %dot_general3A_13 {offsets = [728, 0], sizes = [8, 2048], strides = [1, 1]} : vector<1024x2048xf32> to vector<8x2048xf32>
    %add3A_1097 = vector.broadcast %broadcast_in_dim3A : vector<1x2048xf32> to vector<8x2048xf32>
    %add3A_1098 = arith.addf %add3A_1097, %slice3A_1096 : vector<8x2048xf32>
    %slice3A_1099 = vector.extract_strided_slice %broadcast_in_dim3A_9 {offsets = [728, 0], sizes = [8, 1], strides = [1, 1]} : vector<1024x1xf32> to vector<8x1xf32>
    %add3A_1100 = vector.broadcast %slice3A_1099 : vector<8x1xf32> to vector<8x2048xf32>
    %add3A_1101 = arith.addf %add3A_1098, %add3A_1100 : vector<8x2048xf32>
    %lt3A_1102 = arith.cmpf olt, %add3A_1101, %select_n3A_1091 : vector<8x2048xf32>
    %select_n3A_1103 = arith.select %lt3A_1102, %add3A_1101, %select_n3A_1091 : vector<8x2048xi1>, vector<8x2048xf32>
    %add3A_1104 = arith.constant 728 : i32
    %add3A_1105 = vector.broadcast %add3A_1104 : i32 to vector<8x2048xi32>
    %add3A_1106 = arith.addi %iota3A, %add3A_1105 : vector<8x2048xi32>
    %select_n3A_1107 = arith.select %lt3A_1102, %add3A_1106, %select_n3A_1095 : vector<8x2048xi1>, vector<8x2048xi32>
    %slice3A_1108 = vector.extract_strided_slice %dot_general3A_13 {offsets = [736, 0], sizes = [8, 2048], strides = [1, 1]} : vector<1024x2048xf32> to vector<8x2048xf32>
    %add3A_1109 = vector.broadcast %broadcast_in_dim3A : vector<1x2048xf32> to vector<8x2048xf32>
    %add3A_1110 = arith.addf %add3A_1109, %slice3A_1108 : vector<8x2048xf32>
    %slice3A_1111 = vector.extract_strided_slice %broadcast_in_dim3A_9 {offsets = [736, 0], sizes = [8, 1], strides = [1, 1]} : vector<1024x1xf32> to vector<8x1xf32>
    %add3A_1112 = vector.broadcast %slice3A_1111 : vector<8x1xf32> to vector<8x2048xf32>
    %add3A_1113 = arith.addf %add3A_1110, %add3A_1112 : vector<8x2048xf32>
    %lt3A_1114 = arith.cmpf olt, %add3A_1113, %select_n3A_1103 : vector<8x2048xf32>
    %select_n3A_1115 = arith.select %lt3A_1114, %add3A_1113, %select_n3A_1103 : vector<8x2048xi1>, vector<8x2048xf32>
    %add3A_1116 = arith.constant 736 : i32
    %add3A_1117 = vector.broadcast %add3A_1116 : i32 to vector<8x2048xi32>
    %add3A_1118 = arith.addi %iota3A, %add3A_1117 : vector<8x2048xi32>
    %select_n3A_1119 = arith.select %lt3A_1114, %add3A_1118, %select_n3A_1107 : vector<8x2048xi1>, vector<8x2048xi32>
    %slice3A_1120 = vector.extract_strided_slice %dot_general3A_13 {offsets = [744, 0], sizes = [8, 2048], strides = [1, 1]} : vector<1024x2048xf32> to vector<8x2048xf32>
    %add3A_1121 = vector.broadcast %broadcast_in_dim3A : vector<1x2048xf32> to vector<8x2048xf32>
    %add3A_1122 = arith.addf %add3A_1121, %slice3A_1120 : vector<8x2048xf32>
    %slice3A_1123 = vector.extract_strided_slice %broadcast_in_dim3A_9 {offsets = [744, 0], sizes = [8, 1], strides = [1, 1]} : vector<1024x1xf32> to vector<8x1xf32>
    %add3A_1124 = vector.broadcast %slice3A_1123 : vector<8x1xf32> to vector<8x2048xf32>
    %add3A_1125 = arith.addf %add3A_1122, %add3A_1124 : vector<8x2048xf32>
    %lt3A_1126 = arith.cmpf olt, %add3A_1125, %select_n3A_1115 : vector<8x2048xf32>
    %select_n3A_1127 = arith.select %lt3A_1126, %add3A_1125, %select_n3A_1115 : vector<8x2048xi1>, vector<8x2048xf32>
    %add3A_1128 = arith.constant 744 : i32
    %add3A_1129 = vector.broadcast %add3A_1128 : i32 to vector<8x2048xi32>
    %add3A_1130 = arith.addi %iota3A, %add3A_1129 : vector<8x2048xi32>
    %select_n3A_1131 = arith.select %lt3A_1126, %add3A_1130, %select_n3A_1119 : vector<8x2048xi1>, vector<8x2048xi32>
    %slice3A_1132 = vector.extract_strided_slice %dot_general3A_13 {offsets = [752, 0], sizes = [8, 2048], strides = [1, 1]} : vector<1024x2048xf32> to vector<8x2048xf32>
    %add3A_1133 = vector.broadcast %broadcast_in_dim3A : vector<1x2048xf32> to vector<8x2048xf32>
    %add3A_1134 = arith.addf %add3A_1133, %slice3A_1132 : vector<8x2048xf32>
    %slice3A_1135 = vector.extract_strided_slice %broadcast_in_dim3A_9 {offsets = [752, 0], sizes = [8, 1], strides = [1, 1]} : vector<1024x1xf32> to vector<8x1xf32>
    %add3A_1136 = vector.broadcast %slice3A_1135 : vector<8x1xf32> to vector<8x2048xf32>
    %add3A_1137 = arith.addf %add3A_1134, %add3A_1136 : vector<8x2048xf32>
    %lt3A_1138 = arith.cmpf olt, %add3A_1137, %select_n3A_1127 : vector<8x2048xf32>
    %select_n3A_1139 = arith.select %lt3A_1138, %add3A_1137, %select_n3A_1127 : vector<8x2048xi1>, vector<8x2048xf32>
    %add3A_1140 = arith.constant 752 : i32
    %add3A_1141 = vector.broadcast %add3A_1140 : i32 to vector<8x2048xi32>
    %add3A_1142 = arith.addi %iota3A, %add3A_1141 : vector<8x2048xi32>
    %select_n3A_1143 = arith.select %lt3A_1138, %add3A_1142, %select_n3A_1131 : vector<8x2048xi1>, vector<8x2048xi32>
    %slice3A_1144 = vector.extract_strided_slice %dot_general3A_13 {offsets = [760, 0], sizes = [8, 2048], strides = [1, 1]} : vector<1024x2048xf32> to vector<8x2048xf32>
    %add3A_1145 = vector.broadcast %broadcast_in_dim3A : vector<1x2048xf32> to vector<8x2048xf32>
    %add3A_1146 = arith.addf %add3A_1145, %slice3A_1144 : vector<8x2048xf32>
    %slice3A_1147 = vector.extract_strided_slice %broadcast_in_dim3A_9 {offsets = [760, 0], sizes = [8, 1], strides = [1, 1]} : vector<1024x1xf32> to vector<8x1xf32>
    %add3A_1148 = vector.broadcast %slice3A_1147 : vector<8x1xf32> to vector<8x2048xf32>
    %add3A_1149 = arith.addf %add3A_1146, %add3A_1148 : vector<8x2048xf32>
    %lt3A_1150 = arith.cmpf olt, %add3A_1149, %select_n3A_1139 : vector<8x2048xf32>
    %select_n3A_1151 = arith.select %lt3A_1150, %add3A_1149, %select_n3A_1139 : vector<8x2048xi1>, vector<8x2048xf32>
    %add3A_1152 = arith.constant 760 : i32
    %add3A_1153 = vector.broadcast %add3A_1152 : i32 to vector<8x2048xi32>
    %add3A_1154 = arith.addi %iota3A, %add3A_1153 : vector<8x2048xi32>
    %select_n3A_1155 = arith.select %lt3A_1150, %add3A_1154, %select_n3A_1143 : vector<8x2048xi1>, vector<8x2048xi32>
    %slice3A_1156 = vector.extract_strided_slice %dot_general3A_13 {offsets = [768, 0], sizes = [8, 2048], strides = [1, 1]} : vector<1024x2048xf32> to vector<8x2048xf32>
    %add3A_1157 = vector.broadcast %broadcast_in_dim3A : vector<1x2048xf32> to vector<8x2048xf32>
    %add3A_1158 = arith.addf %add3A_1157, %slice3A_1156 : vector<8x2048xf32>
    %slice3A_1159 = vector.extract_strided_slice %broadcast_in_dim3A_9 {offsets = [768, 0], sizes = [8, 1], strides = [1, 1]} : vector<1024x1xf32> to vector<8x1xf32>
    %add3A_1160 = vector.broadcast %slice3A_1159 : vector<8x1xf32> to vector<8x2048xf32>
    %add3A_1161 = arith.addf %add3A_1158, %add3A_1160 : vector<8x2048xf32>
    %lt3A_1162 = arith.cmpf olt, %add3A_1161, %select_n3A_1151 : vector<8x2048xf32>
    %select_n3A_1163 = arith.select %lt3A_1162, %add3A_1161, %select_n3A_1151 : vector<8x2048xi1>, vector<8x2048xf32>
    %add3A_1164 = arith.constant 768 : i32
    %add3A_1165 = vector.broadcast %add3A_1164 : i32 to vector<8x2048xi32>
    %add3A_1166 = arith.addi %iota3A, %add3A_1165 : vector<8x2048xi32>
    %select_n3A_1167 = arith.select %lt3A_1162, %add3A_1166, %select_n3A_1155 : vector<8x2048xi1>, vector<8x2048xi32>
    %slice3A_1168 = vector.extract_strided_slice %dot_general3A_13 {offsets = [776, 0], sizes = [8, 2048], strides = [1, 1]} : vector<1024x2048xf32> to vector<8x2048xf32>
    %add3A_1169 = vector.broadcast %broadcast_in_dim3A : vector<1x2048xf32> to vector<8x2048xf32>
    %add3A_1170 = arith.addf %add3A_1169, %slice3A_1168 : vector<8x2048xf32>
    %slice3A_1171 = vector.extract_strided_slice %broadcast_in_dim3A_9 {offsets = [776, 0], sizes = [8, 1], strides = [1, 1]} : vector<1024x1xf32> to vector<8x1xf32>
    %add3A_1172 = vector.broadcast %slice3A_1171 : vector<8x1xf32> to vector<8x2048xf32>
    %add3A_1173 = arith.addf %add3A_1170, %add3A_1172 : vector<8x2048xf32>
    %lt3A_1174 = arith.cmpf olt, %add3A_1173, %select_n3A_1163 : vector<8x2048xf32>
    %select_n3A_1175 = arith.select %lt3A_1174, %add3A_1173, %select_n3A_1163 : vector<8x2048xi1>, vector<8x2048xf32>
    %add3A_1176 = arith.constant 776 : i32
    %add3A_1177 = vector.broadcast %add3A_1176 : i32 to vector<8x2048xi32>
    %add3A_1178 = arith.addi %iota3A, %add3A_1177 : vector<8x2048xi32>
    %select_n3A_1179 = arith.select %lt3A_1174, %add3A_1178, %select_n3A_1167 : vector<8x2048xi1>, vector<8x2048xi32>
    %slice3A_1180 = vector.extract_strided_slice %dot_general3A_13 {offsets = [784, 0], sizes = [8, 2048], strides = [1, 1]} : vector<1024x2048xf32> to vector<8x2048xf32>
    %add3A_1181 = vector.broadcast %broadcast_in_dim3A : vector<1x2048xf32> to vector<8x2048xf32>
    %add3A_1182 = arith.addf %add3A_1181, %slice3A_1180 : vector<8x2048xf32>
    %slice3A_1183 = vector.extract_strided_slice %broadcast_in_dim3A_9 {offsets = [784, 0], sizes = [8, 1], strides = [1, 1]} : vector<1024x1xf32> to vector<8x1xf32>
    %add3A_1184 = vector.broadcast %slice3A_1183 : vector<8x1xf32> to vector<8x2048xf32>
    %add3A_1185 = arith.addf %add3A_1182, %add3A_1184 : vector<8x2048xf32>
    %lt3A_1186 = arith.cmpf olt, %add3A_1185, %select_n3A_1175 : vector<8x2048xf32>
    %select_n3A_1187 = arith.select %lt3A_1186, %add3A_1185, %select_n3A_1175 : vector<8x2048xi1>, vector<8x2048xf32>
    %add3A_1188 = arith.constant 784 : i32
    %add3A_1189 = vector.broadcast %add3A_1188 : i32 to vector<8x2048xi32>
    %add3A_1190 = arith.addi %iota3A, %add3A_1189 : vector<8x2048xi32>
    %select_n3A_1191 = arith.select %lt3A_1186, %add3A_1190, %select_n3A_1179 : vector<8x2048xi1>, vector<8x2048xi32>
    %slice3A_1192 = vector.extract_strided_slice %dot_general3A_13 {offsets = [792, 0], sizes = [8, 2048], strides = [1, 1]} : vector<1024x2048xf32> to vector<8x2048xf32>
    %add3A_1193 = vector.broadcast %broadcast_in_dim3A : vector<1x2048xf32> to vector<8x2048xf32>
    %add3A_1194 = arith.addf %add3A_1193, %slice3A_1192 : vector<8x2048xf32>
    %slice3A_1195 = vector.extract_strided_slice %broadcast_in_dim3A_9 {offsets = [792, 0], sizes = [8, 1], strides = [1, 1]} : vector<1024x1xf32> to vector<8x1xf32>
    %add3A_1196 = vector.broadcast %slice3A_1195 : vector<8x1xf32> to vector<8x2048xf32>
    %add3A_1197 = arith.addf %add3A_1194, %add3A_1196 : vector<8x2048xf32>
    %lt3A_1198 = arith.cmpf olt, %add3A_1197, %select_n3A_1187 : vector<8x2048xf32>
    %select_n3A_1199 = arith.select %lt3A_1198, %add3A_1197, %select_n3A_1187 : vector<8x2048xi1>, vector<8x2048xf32>
    %add3A_1200 = arith.constant 792 : i32
    %add3A_1201 = vector.broadcast %add3A_1200 : i32 to vector<8x2048xi32>
    %add3A_1202 = arith.addi %iota3A, %add3A_1201 : vector<8x2048xi32>
    %select_n3A_1203 = arith.select %lt3A_1198, %add3A_1202, %select_n3A_1191 : vector<8x2048xi1>, vector<8x2048xi32>
    %slice3A_1204 = vector.extract_strided_slice %dot_general3A_13 {offsets = [800, 0], sizes = [8, 2048], strides = [1, 1]} : vector<1024x2048xf32> to vector<8x2048xf32>
    %add3A_1205 = vector.broadcast %broadcast_in_dim3A : vector<1x2048xf32> to vector<8x2048xf32>
    %add3A_1206 = arith.addf %add3A_1205, %slice3A_1204 : vector<8x2048xf32>
    %slice3A_1207 = vector.extract_strided_slice %broadcast_in_dim3A_9 {offsets = [800, 0], sizes = [8, 1], strides = [1, 1]} : vector<1024x1xf32> to vector<8x1xf32>
    %add3A_1208 = vector.broadcast %slice3A_1207 : vector<8x1xf32> to vector<8x2048xf32>
    %add3A_1209 = arith.addf %add3A_1206, %add3A_1208 : vector<8x2048xf32>
    %lt3A_1210 = arith.cmpf olt, %add3A_1209, %select_n3A_1199 : vector<8x2048xf32>
    %select_n3A_1211 = arith.select %lt3A_1210, %add3A_1209, %select_n3A_1199 : vector<8x2048xi1>, vector<8x2048xf32>
    %add3A_1212 = arith.constant 800 : i32
    %add3A_1213 = vector.broadcast %add3A_1212 : i32 to vector<8x2048xi32>
    %add3A_1214 = arith.addi %iota3A, %add3A_1213 : vector<8x2048xi32>
    %select_n3A_1215 = arith.select %lt3A_1210, %add3A_1214, %select_n3A_1203 : vector<8x2048xi1>, vector<8x2048xi32>
    %slice3A_1216 = vector.extract_strided_slice %dot_general3A_13 {offsets = [808, 0], sizes = [8, 2048], strides = [1, 1]} : vector<1024x2048xf32> to vector<8x2048xf32>
    %add3A_1217 = vector.broadcast %broadcast_in_dim3A : vector<1x2048xf32> to vector<8x2048xf32>
    %add3A_1218 = arith.addf %add3A_1217, %slice3A_1216 : vector<8x2048xf32>
    %slice3A_1219 = vector.extract_strided_slice %broadcast_in_dim3A_9 {offsets = [808, 0], sizes = [8, 1], strides = [1, 1]} : vector<1024x1xf32> to vector<8x1xf32>
    %add3A_1220 = vector.broadcast %slice3A_1219 : vector<8x1xf32> to vector<8x2048xf32>
    %add3A_1221 = arith.addf %add3A_1218, %add3A_1220 : vector<8x2048xf32>
    %lt3A_1222 = arith.cmpf olt, %add3A_1221, %select_n3A_1211 : vector<8x2048xf32>
    %select_n3A_1223 = arith.select %lt3A_1222, %add3A_1221, %select_n3A_1211 : vector<8x2048xi1>, vector<8x2048xf32>
    %add3A_1224 = arith.constant 808 : i32
    %add3A_1225 = vector.broadcast %add3A_1224 : i32 to vector<8x2048xi32>
    %add3A_1226 = arith.addi %iota3A, %add3A_1225 : vector<8x2048xi32>
    %select_n3A_1227 = arith.select %lt3A_1222, %add3A_1226, %select_n3A_1215 : vector<8x2048xi1>, vector<8x2048xi32>
    %slice3A_1228 = vector.extract_strided_slice %dot_general3A_13 {offsets = [816, 0], sizes = [8, 2048], strides = [1, 1]} : vector<1024x2048xf32> to vector<8x2048xf32>
    %add3A_1229 = vector.broadcast %broadcast_in_dim3A : vector<1x2048xf32> to vector<8x2048xf32>
    %add3A_1230 = arith.addf %add3A_1229, %slice3A_1228 : vector<8x2048xf32>
    %slice3A_1231 = vector.extract_strided_slice %broadcast_in_dim3A_9 {offsets = [816, 0], sizes = [8, 1], strides = [1, 1]} : vector<1024x1xf32> to vector<8x1xf32>
    %add3A_1232 = vector.broadcast %slice3A_1231 : vector<8x1xf32> to vector<8x2048xf32>
    %add3A_1233 = arith.addf %add3A_1230, %add3A_1232 : vector<8x2048xf32>
    %lt3A_1234 = arith.cmpf olt, %add3A_1233, %select_n3A_1223 : vector<8x2048xf32>
    %select_n3A_1235 = arith.select %lt3A_1234, %add3A_1233, %select_n3A_1223 : vector<8x2048xi1>, vector<8x2048xf32>
    %add3A_1236 = arith.constant 816 : i32
    %add3A_1237 = vector.broadcast %add3A_1236 : i32 to vector<8x2048xi32>
    %add3A_1238 = arith.addi %iota3A, %add3A_1237 : vector<8x2048xi32>
    %select_n3A_1239 = arith.select %lt3A_1234, %add3A_1238, %select_n3A_1227 : vector<8x2048xi1>, vector<8x2048xi32>
    %slice3A_1240 = vector.extract_strided_slice %dot_general3A_13 {offsets = [824, 0], sizes = [8, 2048], strides = [1, 1]} : vector<1024x2048xf32> to vector<8x2048xf32>
    %add3A_1241 = vector.broadcast %broadcast_in_dim3A : vector<1x2048xf32> to vector<8x2048xf32>
    %add3A_1242 = arith.addf %add3A_1241, %slice3A_1240 : vector<8x2048xf32>
    %slice3A_1243 = vector.extract_strided_slice %broadcast_in_dim3A_9 {offsets = [824, 0], sizes = [8, 1], strides = [1, 1]} : vector<1024x1xf32> to vector<8x1xf32>
    %add3A_1244 = vector.broadcast %slice3A_1243 : vector<8x1xf32> to vector<8x2048xf32>
    %add3A_1245 = arith.addf %add3A_1242, %add3A_1244 : vector<8x2048xf32>
    %lt3A_1246 = arith.cmpf olt, %add3A_1245, %select_n3A_1235 : vector<8x2048xf32>
    %select_n3A_1247 = arith.select %lt3A_1246, %add3A_1245, %select_n3A_1235 : vector<8x2048xi1>, vector<8x2048xf32>
    %add3A_1248 = arith.constant 824 : i32
    %add3A_1249 = vector.broadcast %add3A_1248 : i32 to vector<8x2048xi32>
    %add3A_1250 = arith.addi %iota3A, %add3A_1249 : vector<8x2048xi32>
    %select_n3A_1251 = arith.select %lt3A_1246, %add3A_1250, %select_n3A_1239 : vector<8x2048xi1>, vector<8x2048xi32>
    %slice3A_1252 = vector.extract_strided_slice %dot_general3A_13 {offsets = [832, 0], sizes = [8, 2048], strides = [1, 1]} : vector<1024x2048xf32> to vector<8x2048xf32>
    %add3A_1253 = vector.broadcast %broadcast_in_dim3A : vector<1x2048xf32> to vector<8x2048xf32>
    %add3A_1254 = arith.addf %add3A_1253, %slice3A_1252 : vector<8x2048xf32>
    %slice3A_1255 = vector.extract_strided_slice %broadcast_in_dim3A_9 {offsets = [832, 0], sizes = [8, 1], strides = [1, 1]} : vector<1024x1xf32> to vector<8x1xf32>
    %add3A_1256 = vector.broadcast %slice3A_1255 : vector<8x1xf32> to vector<8x2048xf32>
    %add3A_1257 = arith.addf %add3A_1254, %add3A_1256 : vector<8x2048xf32>
    %lt3A_1258 = arith.cmpf olt, %add3A_1257, %select_n3A_1247 : vector<8x2048xf32>
    %select_n3A_1259 = arith.select %lt3A_1258, %add3A_1257, %select_n3A_1247 : vector<8x2048xi1>, vector<8x2048xf32>
    %add3A_1260 = arith.constant 832 : i32
    %add3A_1261 = vector.broadcast %add3A_1260 : i32 to vector<8x2048xi32>
    %add3A_1262 = arith.addi %iota3A, %add3A_1261 : vector<8x2048xi32>
    %select_n3A_1263 = arith.select %lt3A_1258, %add3A_1262, %select_n3A_1251 : vector<8x2048xi1>, vector<8x2048xi32>
    %slice3A_1264 = vector.extract_strided_slice %dot_general3A_13 {offsets = [840, 0], sizes = [8, 2048], strides = [1, 1]} : vector<1024x2048xf32> to vector<8x2048xf32>
    %add3A_1265 = vector.broadcast %broadcast_in_dim3A : vector<1x2048xf32> to vector<8x2048xf32>
    %add3A_1266 = arith.addf %add3A_1265, %slice3A_1264 : vector<8x2048xf32>
    %slice3A_1267 = vector.extract_strided_slice %broadcast_in_dim3A_9 {offsets = [840, 0], sizes = [8, 1], strides = [1, 1]} : vector<1024x1xf32> to vector<8x1xf32>
    %add3A_1268 = vector.broadcast %slice3A_1267 : vector<8x1xf32> to vector<8x2048xf32>
    %add3A_1269 = arith.addf %add3A_1266, %add3A_1268 : vector<8x2048xf32>
    %lt3A_1270 = arith.cmpf olt, %add3A_1269, %select_n3A_1259 : vector<8x2048xf32>
    %select_n3A_1271 = arith.select %lt3A_1270, %add3A_1269, %select_n3A_1259 : vector<8x2048xi1>, vector<8x2048xf32>
    %add3A_1272 = arith.constant 840 : i32
    %add3A_1273 = vector.broadcast %add3A_1272 : i32 to vector<8x2048xi32>
    %add3A_1274 = arith.addi %iota3A, %add3A_1273 : vector<8x2048xi32>
    %select_n3A_1275 = arith.select %lt3A_1270, %add3A_1274, %select_n3A_1263 : vector<8x2048xi1>, vector<8x2048xi32>
    %slice3A_1276 = vector.extract_strided_slice %dot_general3A_13 {offsets = [848, 0], sizes = [8, 2048], strides = [1, 1]} : vector<1024x2048xf32> to vector<8x2048xf32>
    %add3A_1277 = vector.broadcast %broadcast_in_dim3A : vector<1x2048xf32> to vector<8x2048xf32>
    %add3A_1278 = arith.addf %add3A_1277, %slice3A_1276 : vector<8x2048xf32>
    %slice3A_1279 = vector.extract_strided_slice %broadcast_in_dim3A_9 {offsets = [848, 0], sizes = [8, 1], strides = [1, 1]} : vector<1024x1xf32> to vector<8x1xf32>
    %add3A_1280 = vector.broadcast %slice3A_1279 : vector<8x1xf32> to vector<8x2048xf32>
    %add3A_1281 = arith.addf %add3A_1278, %add3A_1280 : vector<8x2048xf32>
    %lt3A_1282 = arith.cmpf olt, %add3A_1281, %select_n3A_1271 : vector<8x2048xf32>
    %select_n3A_1283 = arith.select %lt3A_1282, %add3A_1281, %select_n3A_1271 : vector<8x2048xi1>, vector<8x2048xf32>
    %add3A_1284 = arith.constant 848 : i32
    %add3A_1285 = vector.broadcast %add3A_1284 : i32 to vector<8x2048xi32>
    %add3A_1286 = arith.addi %iota3A, %add3A_1285 : vector<8x2048xi32>
    %select_n3A_1287 = arith.select %lt3A_1282, %add3A_1286, %select_n3A_1275 : vector<8x2048xi1>, vector<8x2048xi32>
    %slice3A_1288 = vector.extract_strided_slice %dot_general3A_13 {offsets = [856, 0], sizes = [8, 2048], strides = [1, 1]} : vector<1024x2048xf32> to vector<8x2048xf32>
    %add3A_1289 = vector.broadcast %broadcast_in_dim3A : vector<1x2048xf32> to vector<8x2048xf32>
    %add3A_1290 = arith.addf %add3A_1289, %slice3A_1288 : vector<8x2048xf32>
    %slice3A_1291 = vector.extract_strided_slice %broadcast_in_dim3A_9 {offsets = [856, 0], sizes = [8, 1], strides = [1, 1]} : vector<1024x1xf32> to vector<8x1xf32>
    %add3A_1292 = vector.broadcast %slice3A_1291 : vector<8x1xf32> to vector<8x2048xf32>
    %add3A_1293 = arith.addf %add3A_1290, %add3A_1292 : vector<8x2048xf32>
    %lt3A_1294 = arith.cmpf olt, %add3A_1293, %select_n3A_1283 : vector<8x2048xf32>
    %select_n3A_1295 = arith.select %lt3A_1294, %add3A_1293, %select_n3A_1283 : vector<8x2048xi1>, vector<8x2048xf32>
    %add3A_1296 = arith.constant 856 : i32
    %add3A_1297 = vector.broadcast %add3A_1296 : i32 to vector<8x2048xi32>
    %add3A_1298 = arith.addi %iota3A, %add3A_1297 : vector<8x2048xi32>
    %select_n3A_1299 = arith.select %lt3A_1294, %add3A_1298, %select_n3A_1287 : vector<8x2048xi1>, vector<8x2048xi32>
    %slice3A_1300 = vector.extract_strided_slice %dot_general3A_13 {offsets = [864, 0], sizes = [8, 2048], strides = [1, 1]} : vector<1024x2048xf32> to vector<8x2048xf32>
    %add3A_1301 = vector.broadcast %broadcast_in_dim3A : vector<1x2048xf32> to vector<8x2048xf32>
    %add3A_1302 = arith.addf %add3A_1301, %slice3A_1300 : vector<8x2048xf32>
    %slice3A_1303 = vector.extract_strided_slice %broadcast_in_dim3A_9 {offsets = [864, 0], sizes = [8, 1], strides = [1, 1]} : vector<1024x1xf32> to vector<8x1xf32>
    %add3A_1304 = vector.broadcast %slice3A_1303 : vector<8x1xf32> to vector<8x2048xf32>
    %add3A_1305 = arith.addf %add3A_1302, %add3A_1304 : vector<8x2048xf32>
    %lt3A_1306 = arith.cmpf olt, %add3A_1305, %select_n3A_1295 : vector<8x2048xf32>
    %select_n3A_1307 = arith.select %lt3A_1306, %add3A_1305, %select_n3A_1295 : vector<8x2048xi1>, vector<8x2048xf32>
    %add3A_1308 = arith.constant 864 : i32
    %add3A_1309 = vector.broadcast %add3A_1308 : i32 to vector<8x2048xi32>
    %add3A_1310 = arith.addi %iota3A, %add3A_1309 : vector<8x2048xi32>
    %select_n3A_1311 = arith.select %lt3A_1306, %add3A_1310, %select_n3A_1299 : vector<8x2048xi1>, vector<8x2048xi32>
    %slice3A_1312 = vector.extract_strided_slice %dot_general3A_13 {offsets = [872, 0], sizes = [8, 2048], strides = [1, 1]} : vector<1024x2048xf32> to vector<8x2048xf32>
    %add3A_1313 = vector.broadcast %broadcast_in_dim3A : vector<1x2048xf32> to vector<8x2048xf32>
    %add3A_1314 = arith.addf %add3A_1313, %slice3A_1312 : vector<8x2048xf32>
    %slice3A_1315 = vector.extract_strided_slice %broadcast_in_dim3A_9 {offsets = [872, 0], sizes = [8, 1], strides = [1, 1]} : vector<1024x1xf32> to vector<8x1xf32>
    %add3A_1316 = vector.broadcast %slice3A_1315 : vector<8x1xf32> to vector<8x2048xf32>
    %add3A_1317 = arith.addf %add3A_1314, %add3A_1316 : vector<8x2048xf32>
    %lt3A_1318 = arith.cmpf olt, %add3A_1317, %select_n3A_1307 : vector<8x2048xf32>
    %select_n3A_1319 = arith.select %lt3A_1318, %add3A_1317, %select_n3A_1307 : vector<8x2048xi1>, vector<8x2048xf32>
    %add3A_1320 = arith.constant 872 : i32
    %add3A_1321 = vector.broadcast %add3A_1320 : i32 to vector<8x2048xi32>
    %add3A_1322 = arith.addi %iota3A, %add3A_1321 : vector<8x2048xi32>
    %select_n3A_1323 = arith.select %lt3A_1318, %add3A_1322, %select_n3A_1311 : vector<8x2048xi1>, vector<8x2048xi32>
    %slice3A_1324 = vector.extract_strided_slice %dot_general3A_13 {offsets = [880, 0], sizes = [8, 2048], strides = [1, 1]} : vector<1024x2048xf32> to vector<8x2048xf32>
    %add3A_1325 = vector.broadcast %broadcast_in_dim3A : vector<1x2048xf32> to vector<8x2048xf32>
    %add3A_1326 = arith.addf %add3A_1325, %slice3A_1324 : vector<8x2048xf32>
    %slice3A_1327 = vector.extract_strided_slice %broadcast_in_dim3A_9 {offsets = [880, 0], sizes = [8, 1], strides = [1, 1]} : vector<1024x1xf32> to vector<8x1xf32>
    %add3A_1328 = vector.broadcast %slice3A_1327 : vector<8x1xf32> to vector<8x2048xf32>
    %add3A_1329 = arith.addf %add3A_1326, %add3A_1328 : vector<8x2048xf32>
    %lt3A_1330 = arith.cmpf olt, %add3A_1329, %select_n3A_1319 : vector<8x2048xf32>
    %select_n3A_1331 = arith.select %lt3A_1330, %add3A_1329, %select_n3A_1319 : vector<8x2048xi1>, vector<8x2048xf32>
    %add3A_1332 = arith.constant 880 : i32
    %add3A_1333 = vector.broadcast %add3A_1332 : i32 to vector<8x2048xi32>
    %add3A_1334 = arith.addi %iota3A, %add3A_1333 : vector<8x2048xi32>
    %select_n3A_1335 = arith.select %lt3A_1330, %add3A_1334, %select_n3A_1323 : vector<8x2048xi1>, vector<8x2048xi32>
    %slice3A_1336 = vector.extract_strided_slice %dot_general3A_13 {offsets = [888, 0], sizes = [8, 2048], strides = [1, 1]} : vector<1024x2048xf32> to vector<8x2048xf32>
    %add3A_1337 = vector.broadcast %broadcast_in_dim3A : vector<1x2048xf32> to vector<8x2048xf32>
    %add3A_1338 = arith.addf %add3A_1337, %slice3A_1336 : vector<8x2048xf32>
    %slice3A_1339 = vector.extract_strided_slice %broadcast_in_dim3A_9 {offsets = [888, 0], sizes = [8, 1], strides = [1, 1]} : vector<1024x1xf32> to vector<8x1xf32>
    %add3A_1340 = vector.broadcast %slice3A_1339 : vector<8x1xf32> to vector<8x2048xf32>
    %add3A_1341 = arith.addf %add3A_1338, %add3A_1340 : vector<8x2048xf32>
    %lt3A_1342 = arith.cmpf olt, %add3A_1341, %select_n3A_1331 : vector<8x2048xf32>
    %select_n3A_1343 = arith.select %lt3A_1342, %add3A_1341, %select_n3A_1331 : vector<8x2048xi1>, vector<8x2048xf32>
    %add3A_1344 = arith.constant 888 : i32
    %add3A_1345 = vector.broadcast %add3A_1344 : i32 to vector<8x2048xi32>
    %add3A_1346 = arith.addi %iota3A, %add3A_1345 : vector<8x2048xi32>
    %select_n3A_1347 = arith.select %lt3A_1342, %add3A_1346, %select_n3A_1335 : vector<8x2048xi1>, vector<8x2048xi32>
    %slice3A_1348 = vector.extract_strided_slice %dot_general3A_13 {offsets = [896, 0], sizes = [8, 2048], strides = [1, 1]} : vector<1024x2048xf32> to vector<8x2048xf32>
    %add3A_1349 = vector.broadcast %broadcast_in_dim3A : vector<1x2048xf32> to vector<8x2048xf32>
    %add3A_1350 = arith.addf %add3A_1349, %slice3A_1348 : vector<8x2048xf32>
    %slice3A_1351 = vector.extract_strided_slice %broadcast_in_dim3A_9 {offsets = [896, 0], sizes = [8, 1], strides = [1, 1]} : vector<1024x1xf32> to vector<8x1xf32>
    %add3A_1352 = vector.broadcast %slice3A_1351 : vector<8x1xf32> to vector<8x2048xf32>
    %add3A_1353 = arith.addf %add3A_1350, %add3A_1352 : vector<8x2048xf32>
    %lt3A_1354 = arith.cmpf olt, %add3A_1353, %select_n3A_1343 : vector<8x2048xf32>
    %select_n3A_1355 = arith.select %lt3A_1354, %add3A_1353, %select_n3A_1343 : vector<8x2048xi1>, vector<8x2048xf32>
    %add3A_1356 = arith.constant 896 : i32
    %add3A_1357 = vector.broadcast %add3A_1356 : i32 to vector<8x2048xi32>
    %add3A_1358 = arith.addi %iota3A, %add3A_1357 : vector<8x2048xi32>
    %select_n3A_1359 = arith.select %lt3A_1354, %add3A_1358, %select_n3A_1347 : vector<8x2048xi1>, vector<8x2048xi32>
    %slice3A_1360 = vector.extract_strided_slice %dot_general3A_13 {offsets = [904, 0], sizes = [8, 2048], strides = [1, 1]} : vector<1024x2048xf32> to vector<8x2048xf32>
    %add3A_1361 = vector.broadcast %broadcast_in_dim3A : vector<1x2048xf32> to vector<8x2048xf32>
    %add3A_1362 = arith.addf %add3A_1361, %slice3A_1360 : vector<8x2048xf32>
    %slice3A_1363 = vector.extract_strided_slice %broadcast_in_dim3A_9 {offsets = [904, 0], sizes = [8, 1], strides = [1, 1]} : vector<1024x1xf32> to vector<8x1xf32>
    %add3A_1364 = vector.broadcast %slice3A_1363 : vector<8x1xf32> to vector<8x2048xf32>
    %add3A_1365 = arith.addf %add3A_1362, %add3A_1364 : vector<8x2048xf32>
    %lt3A_1366 = arith.cmpf olt, %add3A_1365, %select_n3A_1355 : vector<8x2048xf32>
    %select_n3A_1367 = arith.select %lt3A_1366, %add3A_1365, %select_n3A_1355 : vector<8x2048xi1>, vector<8x2048xf32>
    %add3A_1368 = arith.constant 904 : i32
    %add3A_1369 = vector.broadcast %add3A_1368 : i32 to vector<8x2048xi32>
    %add3A_1370 = arith.addi %iota3A, %add3A_1369 : vector<8x2048xi32>
    %select_n3A_1371 = arith.select %lt3A_1366, %add3A_1370, %select_n3A_1359 : vector<8x2048xi1>, vector<8x2048xi32>
    %slice3A_1372 = vector.extract_strided_slice %dot_general3A_13 {offsets = [912, 0], sizes = [8, 2048], strides = [1, 1]} : vector<1024x2048xf32> to vector<8x2048xf32>
    %add3A_1373 = vector.broadcast %broadcast_in_dim3A : vector<1x2048xf32> to vector<8x2048xf32>
    %add3A_1374 = arith.addf %add3A_1373, %slice3A_1372 : vector<8x2048xf32>
    %slice3A_1375 = vector.extract_strided_slice %broadcast_in_dim3A_9 {offsets = [912, 0], sizes = [8, 1], strides = [1, 1]} : vector<1024x1xf32> to vector<8x1xf32>
    %add3A_1376 = vector.broadcast %slice3A_1375 : vector<8x1xf32> to vector<8x2048xf32>
    %add3A_1377 = arith.addf %add3A_1374, %add3A_1376 : vector<8x2048xf32>
    %lt3A_1378 = arith.cmpf olt, %add3A_1377, %select_n3A_1367 : vector<8x2048xf32>
    %select_n3A_1379 = arith.select %lt3A_1378, %add3A_1377, %select_n3A_1367 : vector<8x2048xi1>, vector<8x2048xf32>
    %add3A_1380 = arith.constant 912 : i32
    %add3A_1381 = vector.broadcast %add3A_1380 : i32 to vector<8x2048xi32>
    %add3A_1382 = arith.addi %iota3A, %add3A_1381 : vector<8x2048xi32>
    %select_n3A_1383 = arith.select %lt3A_1378, %add3A_1382, %select_n3A_1371 : vector<8x2048xi1>, vector<8x2048xi32>
    %slice3A_1384 = vector.extract_strided_slice %dot_general3A_13 {offsets = [920, 0], sizes = [8, 2048], strides = [1, 1]} : vector<1024x2048xf32> to vector<8x2048xf32>
    %add3A_1385 = vector.broadcast %broadcast_in_dim3A : vector<1x2048xf32> to vector<8x2048xf32>
    %add3A_1386 = arith.addf %add3A_1385, %slice3A_1384 : vector<8x2048xf32>
    %slice3A_1387 = vector.extract_strided_slice %broadcast_in_dim3A_9 {offsets = [920, 0], sizes = [8, 1], strides = [1, 1]} : vector<1024x1xf32> to vector<8x1xf32>
    %add3A_1388 = vector.broadcast %slice3A_1387 : vector<8x1xf32> to vector<8x2048xf32>
    %add3A_1389 = arith.addf %add3A_1386, %add3A_1388 : vector<8x2048xf32>
    %lt3A_1390 = arith.cmpf olt, %add3A_1389, %select_n3A_1379 : vector<8x2048xf32>
    %select_n3A_1391 = arith.select %lt3A_1390, %add3A_1389, %select_n3A_1379 : vector<8x2048xi1>, vector<8x2048xf32>
    %add3A_1392 = arith.constant 920 : i32
    %add3A_1393 = vector.broadcast %add3A_1392 : i32 to vector<8x2048xi32>
    %add3A_1394 = arith.addi %iota3A, %add3A_1393 : vector<8x2048xi32>
    %select_n3A_1395 = arith.select %lt3A_1390, %add3A_1394, %select_n3A_1383 : vector<8x2048xi1>, vector<8x2048xi32>
    %slice3A_1396 = vector.extract_strided_slice %dot_general3A_13 {offsets = [928, 0], sizes = [8, 2048], strides = [1, 1]} : vector<1024x2048xf32> to vector<8x2048xf32>
    %add3A_1397 = vector.broadcast %broadcast_in_dim3A : vector<1x2048xf32> to vector<8x2048xf32>
    %add3A_1398 = arith.addf %add3A_1397, %slice3A_1396 : vector<8x2048xf32>
    %slice3A_1399 = vector.extract_strided_slice %broadcast_in_dim3A_9 {offsets = [928, 0], sizes = [8, 1], strides = [1, 1]} : vector<1024x1xf32> to vector<8x1xf32>
    %add3A_1400 = vector.broadcast %slice3A_1399 : vector<8x1xf32> to vector<8x2048xf32>
    %add3A_1401 = arith.addf %add3A_1398, %add3A_1400 : vector<8x2048xf32>
    %lt3A_1402 = arith.cmpf olt, %add3A_1401, %select_n3A_1391 : vector<8x2048xf32>
    %select_n3A_1403 = arith.select %lt3A_1402, %add3A_1401, %select_n3A_1391 : vector<8x2048xi1>, vector<8x2048xf32>
    %add3A_1404 = arith.constant 928 : i32
    %add3A_1405 = vector.broadcast %add3A_1404 : i32 to vector<8x2048xi32>
    %add3A_1406 = arith.addi %iota3A, %add3A_1405 : vector<8x2048xi32>
    %select_n3A_1407 = arith.select %lt3A_1402, %add3A_1406, %select_n3A_1395 : vector<8x2048xi1>, vector<8x2048xi32>
    %slice3A_1408 = vector.extract_strided_slice %dot_general3A_13 {offsets = [936, 0], sizes = [8, 2048], strides = [1, 1]} : vector<1024x2048xf32> to vector<8x2048xf32>
    %add3A_1409 = vector.broadcast %broadcast_in_dim3A : vector<1x2048xf32> to vector<8x2048xf32>
    %add3A_1410 = arith.addf %add3A_1409, %slice3A_1408 : vector<8x2048xf32>
    %slice3A_1411 = vector.extract_strided_slice %broadcast_in_dim3A_9 {offsets = [936, 0], sizes = [8, 1], strides = [1, 1]} : vector<1024x1xf32> to vector<8x1xf32>
    %add3A_1412 = vector.broadcast %slice3A_1411 : vector<8x1xf32> to vector<8x2048xf32>
    %add3A_1413 = arith.addf %add3A_1410, %add3A_1412 : vector<8x2048xf32>
    %lt3A_1414 = arith.cmpf olt, %add3A_1413, %select_n3A_1403 : vector<8x2048xf32>
    %select_n3A_1415 = arith.select %lt3A_1414, %add3A_1413, %select_n3A_1403 : vector<8x2048xi1>, vector<8x2048xf32>
    %add3A_1416 = arith.constant 936 : i32
    %add3A_1417 = vector.broadcast %add3A_1416 : i32 to vector<8x2048xi32>
    %add3A_1418 = arith.addi %iota3A, %add3A_1417 : vector<8x2048xi32>
    %select_n3A_1419 = arith.select %lt3A_1414, %add3A_1418, %select_n3A_1407 : vector<8x2048xi1>, vector<8x2048xi32>
    %slice3A_1420 = vector.extract_strided_slice %dot_general3A_13 {offsets = [944, 0], sizes = [8, 2048], strides = [1, 1]} : vector<1024x2048xf32> to vector<8x2048xf32>
    %add3A_1421 = vector.broadcast %broadcast_in_dim3A : vector<1x2048xf32> to vector<8x2048xf32>
    %add3A_1422 = arith.addf %add3A_1421, %slice3A_1420 : vector<8x2048xf32>
    %slice3A_1423 = vector.extract_strided_slice %broadcast_in_dim3A_9 {offsets = [944, 0], sizes = [8, 1], strides = [1, 1]} : vector<1024x1xf32> to vector<8x1xf32>
    %add3A_1424 = vector.broadcast %slice3A_1423 : vector<8x1xf32> to vector<8x2048xf32>
    %add3A_1425 = arith.addf %add3A_1422, %add3A_1424 : vector<8x2048xf32>
    %lt3A_1426 = arith.cmpf olt, %add3A_1425, %select_n3A_1415 : vector<8x2048xf32>
    %select_n3A_1427 = arith.select %lt3A_1426, %add3A_1425, %select_n3A_1415 : vector<8x2048xi1>, vector<8x2048xf32>
    %add3A_1428 = arith.constant 944 : i32
    %add3A_1429 = vector.broadcast %add3A_1428 : i32 to vector<8x2048xi32>
    %add3A_1430 = arith.addi %iota3A, %add3A_1429 : vector<8x2048xi32>
    %select_n3A_1431 = arith.select %lt3A_1426, %add3A_1430, %select_n3A_1419 : vector<8x2048xi1>, vector<8x2048xi32>
    %slice3A_1432 = vector.extract_strided_slice %dot_general3A_13 {offsets = [952, 0], sizes = [8, 2048], strides = [1, 1]} : vector<1024x2048xf32> to vector<8x2048xf32>
    %add3A_1433 = vector.broadcast %broadcast_in_dim3A : vector<1x2048xf32> to vector<8x2048xf32>
    %add3A_1434 = arith.addf %add3A_1433, %slice3A_1432 : vector<8x2048xf32>
    %slice3A_1435 = vector.extract_strided_slice %broadcast_in_dim3A_9 {offsets = [952, 0], sizes = [8, 1], strides = [1, 1]} : vector<1024x1xf32> to vector<8x1xf32>
    %add3A_1436 = vector.broadcast %slice3A_1435 : vector<8x1xf32> to vector<8x2048xf32>
    %add3A_1437 = arith.addf %add3A_1434, %add3A_1436 : vector<8x2048xf32>
    %lt3A_1438 = arith.cmpf olt, %add3A_1437, %select_n3A_1427 : vector<8x2048xf32>
    %select_n3A_1439 = arith.select %lt3A_1438, %add3A_1437, %select_n3A_1427 : vector<8x2048xi1>, vector<8x2048xf32>
    %add3A_1440 = arith.constant 952 : i32
    %add3A_1441 = vector.broadcast %add3A_1440 : i32 to vector<8x2048xi32>
    %add3A_1442 = arith.addi %iota3A, %add3A_1441 : vector<8x2048xi32>
    %select_n3A_1443 = arith.select %lt3A_1438, %add3A_1442, %select_n3A_1431 : vector<8x2048xi1>, vector<8x2048xi32>
    %slice3A_1444 = vector.extract_strided_slice %dot_general3A_13 {offsets = [960, 0], sizes = [8, 2048], strides = [1, 1]} : vector<1024x2048xf32> to vector<8x2048xf32>
    %add3A_1445 = vector.broadcast %broadcast_in_dim3A : vector<1x2048xf32> to vector<8x2048xf32>
    %add3A_1446 = arith.addf %add3A_1445, %slice3A_1444 : vector<8x2048xf32>
    %slice3A_1447 = vector.extract_strided_slice %broadcast_in_dim3A_9 {offsets = [960, 0], sizes = [8, 1], strides = [1, 1]} : vector<1024x1xf32> to vector<8x1xf32>
    %add3A_1448 = vector.broadcast %slice3A_1447 : vector<8x1xf32> to vector<8x2048xf32>
    %add3A_1449 = arith.addf %add3A_1446, %add3A_1448 : vector<8x2048xf32>
    %lt3A_1450 = arith.cmpf olt, %add3A_1449, %select_n3A_1439 : vector<8x2048xf32>
    %select_n3A_1451 = arith.select %lt3A_1450, %add3A_1449, %select_n3A_1439 : vector<8x2048xi1>, vector<8x2048xf32>
    %add3A_1452 = arith.constant 960 : i32
    %add3A_1453 = vector.broadcast %add3A_1452 : i32 to vector<8x2048xi32>
    %add3A_1454 = arith.addi %iota3A, %add3A_1453 : vector<8x2048xi32>
    %select_n3A_1455 = arith.select %lt3A_1450, %add3A_1454, %select_n3A_1443 : vector<8x2048xi1>, vector<8x2048xi32>
    %slice3A_1456 = vector.extract_strided_slice %dot_general3A_13 {offsets = [968, 0], sizes = [8, 2048], strides = [1, 1]} : vector<1024x2048xf32> to vector<8x2048xf32>
    %add3A_1457 = vector.broadcast %broadcast_in_dim3A : vector<1x2048xf32> to vector<8x2048xf32>
    %add3A_1458 = arith.addf %add3A_1457, %slice3A_1456 : vector<8x2048xf32>
    %slice3A_1459 = vector.extract_strided_slice %broadcast_in_dim3A_9 {offsets = [968, 0], sizes = [8, 1], strides = [1, 1]} : vector<1024x1xf32> to vector<8x1xf32>
    %add3A_1460 = vector.broadcast %slice3A_1459 : vector<8x1xf32> to vector<8x2048xf32>
    %add3A_1461 = arith.addf %add3A_1458, %add3A_1460 : vector<8x2048xf32>
    %lt3A_1462 = arith.cmpf olt, %add3A_1461, %select_n3A_1451 : vector<8x2048xf32>
    %select_n3A_1463 = arith.select %lt3A_1462, %add3A_1461, %select_n3A_1451 : vector<8x2048xi1>, vector<8x2048xf32>
    %add3A_1464 = arith.constant 968 : i32
    %add3A_1465 = vector.broadcast %add3A_1464 : i32 to vector<8x2048xi32>
    %add3A_1466 = arith.addi %iota3A, %add3A_1465 : vector<8x2048xi32>
    %select_n3A_1467 = arith.select %lt3A_1462, %add3A_1466, %select_n3A_1455 : vector<8x2048xi1>, vector<8x2048xi32>
    %slice3A_1468 = vector.extract_strided_slice %dot_general3A_13 {offsets = [976, 0], sizes = [8, 2048], strides = [1, 1]} : vector<1024x2048xf32> to vector<8x2048xf32>
    %add3A_1469 = vector.broadcast %broadcast_in_dim3A : vector<1x2048xf32> to vector<8x2048xf32>
    %add3A_1470 = arith.addf %add3A_1469, %slice3A_1468 : vector<8x2048xf32>
    %slice3A_1471 = vector.extract_strided_slice %broadcast_in_dim3A_9 {offsets = [976, 0], sizes = [8, 1], strides = [1, 1]} : vector<1024x1xf32> to vector<8x1xf32>
    %add3A_1472 = vector.broadcast %slice3A_1471 : vector<8x1xf32> to vector<8x2048xf32>
    %add3A_1473 = arith.addf %add3A_1470, %add3A_1472 : vector<8x2048xf32>
    %lt3A_1474 = arith.cmpf olt, %add3A_1473, %select_n3A_1463 : vector<8x2048xf32>
    %select_n3A_1475 = arith.select %lt3A_1474, %add3A_1473, %select_n3A_1463 : vector<8x2048xi1>, vector<8x2048xf32>
    %add3A_1476 = arith.constant 976 : i32
    %add3A_1477 = vector.broadcast %add3A_1476 : i32 to vector<8x2048xi32>
    %add3A_1478 = arith.addi %iota3A, %add3A_1477 : vector<8x2048xi32>
    %select_n3A_1479 = arith.select %lt3A_1474, %add3A_1478, %select_n3A_1467 : vector<8x2048xi1>, vector<8x2048xi32>
    %slice3A_1480 = vector.extract_strided_slice %dot_general3A_13 {offsets = [984, 0], sizes = [8, 2048], strides = [1, 1]} : vector<1024x2048xf32> to vector<8x2048xf32>
    %add3A_1481 = vector.broadcast %broadcast_in_dim3A : vector<1x2048xf32> to vector<8x2048xf32>
    %add3A_1482 = arith.addf %add3A_1481, %slice3A_1480 : vector<8x2048xf32>
    %slice3A_1483 = vector.extract_strided_slice %broadcast_in_dim3A_9 {offsets = [984, 0], sizes = [8, 1], strides = [1, 1]} : vector<1024x1xf32> to vector<8x1xf32>
    %add3A_1484 = vector.broadcast %slice3A_1483 : vector<8x1xf32> to vector<8x2048xf32>
    %add3A_1485 = arith.addf %add3A_1482, %add3A_1484 : vector<8x2048xf32>
    %lt3A_1486 = arith.cmpf olt, %add3A_1485, %select_n3A_1475 : vector<8x2048xf32>
    %select_n3A_1487 = arith.select %lt3A_1486, %add3A_1485, %select_n3A_1475 : vector<8x2048xi1>, vector<8x2048xf32>
    %add3A_1488 = arith.constant 984 : i32
    %add3A_1489 = vector.broadcast %add3A_1488 : i32 to vector<8x2048xi32>
    %add3A_1490 = arith.addi %iota3A, %add3A_1489 : vector<8x2048xi32>
    %select_n3A_1491 = arith.select %lt3A_1486, %add3A_1490, %select_n3A_1479 : vector<8x2048xi1>, vector<8x2048xi32>
    %slice3A_1492 = vector.extract_strided_slice %dot_general3A_13 {offsets = [992, 0], sizes = [8, 2048], strides = [1, 1]} : vector<1024x2048xf32> to vector<8x2048xf32>
    %add3A_1493 = vector.broadcast %broadcast_in_dim3A : vector<1x2048xf32> to vector<8x2048xf32>
    %add3A_1494 = arith.addf %add3A_1493, %slice3A_1492 : vector<8x2048xf32>
    %slice3A_1495 = vector.extract_strided_slice %broadcast_in_dim3A_9 {offsets = [992, 0], sizes = [8, 1], strides = [1, 1]} : vector<1024x1xf32> to vector<8x1xf32>
    %add3A_1496 = vector.broadcast %slice3A_1495 : vector<8x1xf32> to vector<8x2048xf32>
    %add3A_1497 = arith.addf %add3A_1494, %add3A_1496 : vector<8x2048xf32>
    %lt3A_1498 = arith.cmpf olt, %add3A_1497, %select_n3A_1487 : vector<8x2048xf32>
    %select_n3A_1499 = arith.select %lt3A_1498, %add3A_1497, %select_n3A_1487 : vector<8x2048xi1>, vector<8x2048xf32>
    %add3A_1500 = arith.constant 992 : i32
    %add3A_1501 = vector.broadcast %add3A_1500 : i32 to vector<8x2048xi32>
    %add3A_1502 = arith.addi %iota3A, %add3A_1501 : vector<8x2048xi32>
    %select_n3A_1503 = arith.select %lt3A_1498, %add3A_1502, %select_n3A_1491 : vector<8x2048xi1>, vector<8x2048xi32>
    %slice3A_1504 = vector.extract_strided_slice %dot_general3A_13 {offsets = [1000, 0], sizes = [8, 2048], strides = [1, 1]} : vector<1024x2048xf32> to vector<8x2048xf32>
    %add3A_1505 = vector.broadcast %broadcast_in_dim3A : vector<1x2048xf32> to vector<8x2048xf32>
    %add3A_1506 = arith.addf %add3A_1505, %slice3A_1504 : vector<8x2048xf32>
    %slice3A_1507 = vector.extract_strided_slice %broadcast_in_dim3A_9 {offsets = [1000, 0], sizes = [8, 1], strides = [1, 1]} : vector<1024x1xf32> to vector<8x1xf32>
    %add3A_1508 = vector.broadcast %slice3A_1507 : vector<8x1xf32> to vector<8x2048xf32>
    %add3A_1509 = arith.addf %add3A_1506, %add3A_1508 : vector<8x2048xf32>
    %lt3A_1510 = arith.cmpf olt, %add3A_1509, %select_n3A_1499 : vector<8x2048xf32>
    %select_n3A_1511 = arith.select %lt3A_1510, %add3A_1509, %select_n3A_1499 : vector<8x2048xi1>, vector<8x2048xf32>
    %add3A_1512 = arith.constant 1000 : i32
    %add3A_1513 = vector.broadcast %add3A_1512 : i32 to vector<8x2048xi32>
    %add3A_1514 = arith.addi %iota3A, %add3A_1513 : vector<8x2048xi32>
    %select_n3A_1515 = arith.select %lt3A_1510, %add3A_1514, %select_n3A_1503 : vector<8x2048xi1>, vector<8x2048xi32>
    %slice3A_1516 = vector.extract_strided_slice %dot_general3A_13 {offsets = [1008, 0], sizes = [8, 2048], strides = [1, 1]} : vector<1024x2048xf32> to vector<8x2048xf32>
    %add3A_1517 = vector.broadcast %broadcast_in_dim3A : vector<1x2048xf32> to vector<8x2048xf32>
    %add3A_1518 = arith.addf %add3A_1517, %slice3A_1516 : vector<8x2048xf32>
    %slice3A_1519 = vector.extract_strided_slice %broadcast_in_dim3A_9 {offsets = [1008, 0], sizes = [8, 1], strides = [1, 1]} : vector<1024x1xf32> to vector<8x1xf32>
    %add3A_1520 = vector.broadcast %slice3A_1519 : vector<8x1xf32> to vector<8x2048xf32>
    %add3A_1521 = arith.addf %add3A_1518, %add3A_1520 : vector<8x2048xf32>
    %lt3A_1522 = arith.cmpf olt, %add3A_1521, %select_n3A_1511 : vector<8x2048xf32>
    %select_n3A_1523 = arith.select %lt3A_1522, %add3A_1521, %select_n3A_1511 : vector<8x2048xi1>, vector<8x2048xf32>
    %add3A_1524 = arith.constant 1008 : i32
    %add3A_1525 = vector.broadcast %add3A_1524 : i32 to vector<8x2048xi32>
    %add3A_1526 = arith.addi %iota3A, %add3A_1525 : vector<8x2048xi32>
    %select_n3A_1527 = arith.select %lt3A_1522, %add3A_1526, %select_n3A_1515 : vector<8x2048xi1>, vector<8x2048xi32>
    %slice3A_1528 = vector.extract_strided_slice %dot_general3A_13 {offsets = [1016, 0], sizes = [8, 2048], strides = [1, 1]} : vector<1024x2048xf32> to vector<8x2048xf32>
    %add3A_1529 = vector.broadcast %broadcast_in_dim3A : vector<1x2048xf32> to vector<8x2048xf32>
    %add3A_1530 = arith.addf %add3A_1529, %slice3A_1528 : vector<8x2048xf32>
    %slice3A_1531 = vector.extract_strided_slice %broadcast_in_dim3A_9 {offsets = [1016, 0], sizes = [8, 1], strides = [1, 1]} : vector<1024x1xf32> to vector<8x1xf32>
    %add3A_1532 = vector.broadcast %slice3A_1531 : vector<8x1xf32> to vector<8x2048xf32>
    %add3A_1533 = arith.addf %add3A_1530, %add3A_1532 : vector<8x2048xf32>
    %lt3A_1534 = arith.cmpf olt, %add3A_1533, %select_n3A_1523 : vector<8x2048xf32>
    %select_n3A_1535 = arith.select %lt3A_1534, %add3A_1533, %select_n3A_1523 : vector<8x2048xi1>, vector<8x2048xf32>
    %add3A_1536 = arith.constant 1016 : i32
    %add3A_1537 = vector.broadcast %add3A_1536 : i32 to vector<8x2048xi32>
    %add3A_1538 = arith.addi %iota3A, %add3A_1537 : vector<8x2048xi32>
    %select_n3A_1539 = arith.select %lt3A_1534, %add3A_1538, %select_n3A_1527 : vector<8x2048xi1>, vector<8x2048xi32>
    %reduce_min3A = arith.constant dense<0x7F800000> : vector<2048xf32>
    %reduce_min3A_1540 = vector.multi_reduction <minimumf>, %select_n3A_1535, %reduce_min3A [0] : vector<8x2048xf32> to vector<2048xf32>
    %broadcast_in_dim3A_1541 = vector.shape_cast %reduce_min3A_1540 : vector<2048xf32> to vector<1x2048xf32>
    %eq3A = vector.broadcast %broadcast_in_dim3A_1541 : vector<1x2048xf32> to vector<8x2048xf32>
    %eq3A_1542 = arith.cmpf oeq, %select_n3A_1535, %eq3A : vector<8x2048xf32>
    %jit3A = arith.constant 1073741824 : i32
    %broadcast_in_dim3A_1543 = vector.broadcast %jit3A : i32 to vector<8x2048xi32>
    %select_n3A_1544 = arith.select %eq3A_1542, %select_n3A_1539, %broadcast_in_dim3A_1543 : vector<8x2048xi1>, vector<8x2048xi32>
    %reduce_min3A_1545 = arith.constant dense<2147483647> : vector<2048xi32>
    %reduce_min3A_1546 = vector.multi_reduction <minsi>, %select_n3A_1544, %reduce_min3A_1545 [0] : vector<8x2048xi32> to vector<2048xi32>
    %swap3A = arith.constant 0 : index
    %swap3A_1547 = arith.constant 0 : index
    %swap3A_1548 = arith.constant 0 : index
    %swap3A_1549 = vector.load %arg3[%swap3A, %swap3A_1547, %swap3A_1548] : memref<1x1x2048xi32, #tpu.memory_space<vmem>>, vector<1x1x2048xi32>
    %swap3A_1550 = vector.shape_cast %swap3A_1549 : vector<1x1x2048xi32> to vector<2048xi32>
    %swap3A_1551 = vector.shape_cast %reduce_min3A_1546 : vector<2048xi32> to vector<1x1x2048xi32>
    tpu.vector_store %arg3[%swap3A, %swap3A_1547, %swap3A_1548], %swap3A_1551 {strides = array<i32>} : memref<1x1x2048xi32, #tpu.memory_space<vmem>>, vector<1x1x2048xi32>,
    return
  }
  func.func @transform_0(%arg0: i32) -> (i32, i32) {
    %c0_i32 = arith.constant 0 : i32
    %c0_i32_0 = arith.constant 0 : i32
    return %arg0, %c0_i32 : i32, i32
  }
  func.func @transform_1(%arg0: i32) -> (i32, i32) {
    %c0_i32 = arith.constant 0 : i32
    %c0_i32_0 = arith.constant 0 : i32
    %c0_i32_1 = arith.constant 0 : i32
    return %c0_i32, %c0_i32_0 : i32, i32
  }
  func.func @transform_2(%arg0: i32) -> (i32, i32, i32) {
    %c0_i32 = arith.constant 0 : i32
    %c0_i32_0 = arith.constant 0 : i32
    %c0_i32_1 = arith.constant 0 : i32
    return %arg0, %c0_i32, %c0_i32_0 : i32, i32, i32
  }
}

</mosaic_0001>

<sc_bundles>
// kernel: kernel.4.cloned.1.call-start
scs
__scs_entry_jumppad:
0x0: {  	(pc) =	sbr.rel $0x88, $3  }
0x1: {  	(tag) =	ssettag $0x0;
	lr =	simm.s32 $0x1  }
0x2: {  	[smem:$0x3F9F] =	sst lr;
	_ =	strace $0xD0000000  }
0x3: {  	_ = 	snop  }
0x4: {  	_ = 	snop  }
0x5: {  	_ = 	snop  }
0x6: {  	_ = 	snop  }
0x7: {  	_ = 	snop  }
__scs_overlays_trampoline_lowered:
0x8: {  	[smem:$0x3FAE] =	sst s0  }
0x9: {  	[smem:$0x3FAF] =	sst s1  }
0xa: {  	[smem:$0x3FB0] =	sst s2  }
0xb: {  	[smem:$0x3FB1] =	sst s3  }
0xc: {  	[smem:$0x3FB2] =	sst s4  }
0xd: {  	[smem:$0x3FB3] =	sst s5  }
0xe: {  	[smem:$0x3FB4] =	sst s6  }
0xf: {  	[smem:$0x3FB5] =	sst s7  }
0x10: {  	[smem:$0x3FB6] =	sst s8  }
0x11: {  	[smem:$0x3FB7] =	sst s9;
	s0 =	simm.s32 @!p0 $0x0  }
0x12: {  	s1 =	sld [smem:$0x3F9D];
	s0 =	simm.s32 @p0 $0x1  }
0x13: {  	[smem:$0x3FB8] =	sst s0;
	s0 =	simm.s32 @!p1 $0x0  }
0x14: {  	s2 =	sld [smem:$0x3F9C];
	s0 =	simm.s32 @p1 $0x1  }
0x15: {  	[smem:$0x3FB9] =	sst s0;
	s0 =	simm.s32 @!p2 $0x0  }
0x16: {  	s3 =	sld [smem:$0x3FDB];
	s0 =	simm.s32 @p2 $0x1  }
0x17: {  	s4 =	simm.s32 $0x1BF5;
	[smem:$0x3FBB] =	sst s0  }
0x18: {  	s0 =	sld [smem:$0x3F9E];
	_ =	swait.ge [sflag:s4], $0x0  }
0x19: {  	s7 =	sld [smem:$0x3F9F]  }
0x1a: {  	s8 =	sadd.s32 $0xFFFFE003, lr  }
0x1b: {  	s9 =	sadd.s32 $0xFFFFFEF7, lr;
	s5 =	simm.s32 $0xFFFFFFFF;
	p2 =	slt.u32 s8, $0xFFFFF086  }
0x1c: {  	p1 =	slt.u32 s9, $0xF7A;
	s5 =	simm.s32 @!p2 $0x0  }
0x1d: {  	s5 =	simm.s32 @p1 $0x1;
	p0 =	seq.s32 s7, s2  }
0x1e: {  	s7 =	smul.u32 @!p0 $0xF7A, s2;
	p2 =	seq.s32 @!p0 s5, $0x0  }
0x1f: {  	s9 =	smul.u32 $0xF7A, s1;
	s8 =	simm.s32 @!p0 $0x1BF5;
	p2 =	por !p2, p0  }
0x20: {  	[sflag:s8] =	ssyncset.s32 @!p0 $0xFFFFF086;
	s6 =	sadd.s32 @!p0 s3, s7;
	s7 =	simm.s32 @!p0 $0x108  }
0x21: {  	s3 =	sadd.s32 s3, s9;
	s6 =	sadd.s32 @!p0 $0x88, s6;
	s7 =	simm.s32 @p2 $0x1082  }
0x22: {  	[simem:s7], [sflag:s8] =	dma.local @!p0 [hbm:s6], $0xF7A  }
0x23: {  	s9 =	sor.u32 $0xD0000000, s2;
	s6 =	simm.s32 $0x108;
	_ =	swait.ge @!p0 [sflag:s8], $0x0  }
0x24: {  	s3 =	sadd.s32 $0x88, s3;
	s6 =	simm.s32 @!p1 $0x1082;
	[sflag:s4] =	ssyncset.s32 $0xFFFFF086  }
0x25: {  	[simem:s6], [sflag:s4] =	dma.local [hbm:s3], $0xF7A  }
0x26: {  	[smem:$0x3F9F] =	sst s1;
	(tag) =	ssettag s2;
	_ =	strace s9  }
0x27: {  	s1 =	sld [smem:$0x3FAF]  }
0x28: {  	s2 =	sld [smem:$0x3FB0]  }
0x29: {  	s4 =	sld [smem:$0x3FB2]  }
0x2a: {  	p0 =	seq.s32 s5, $0x0;
	s5 =	sld [smem:$0x3FB3]  }
0x2b: {  	s6 =	sld [smem:$0x3FB4]  }
0x2c: {  	s7 =	sld [smem:$0x3FB5]  }
0x2d: {  	s3 =	simm.s32 $0x108;
	s8 =	sld [smem:$0x3FB6]  }
0x2e: {  	s3 =	simm.s32 @!p0 $0x1082;
	s9 =	sld [smem:$0x3FB7]  }
0x2f: {  	lr =	sadd.s32 s0, s3;
	s0 =	sld [smem:$0x3FAE]  }
0x30: {  	s3 =	sld [smem:$0x3FB1]  }
0x31: {  	[smem:$0x3FBA] =	sst s10  }
0x32: {  	s10 =	sld [smem:$0x3FB8];
	_ =	sdelay $0x3  }
0x33: {  	p0 =	seq.s32 s10, $0x1;
	s10 =	sld [smem:$0x3FBA];
	_ =	sdelay $0x3  }
0x34: {  	[smem:$0x3FBA] =	sst s10  }
0x35: {  	s10 =	sld [smem:$0x3FB9];
	_ =	sdelay $0x3  }
0x36: {  	p1 =	seq.s32 s10, $0x1;
	s10 =	sld [smem:$0x3FBA];
	_ =	sdelay $0x3  }
0x37: {  	[smem:$0x3FBA] =	sst s10  }
0x38: {  	s10 =	sld [smem:$0x3FBB]  }
0x39: {  	_ = 	snop;
	(pc) =	sbr.ind lr, $3  }
0x3a: {  	_ = 	snop  }
0x3b: {  	_ = 	snop  }
0x3c: {  	p2 =	seq.s32 s10, $0x1;
	s10 =	sld [smem:$0x3FBA]  }
0x3d: {  	_ =	shalt  }
0x3e: {  	_ =	shalt  }
0x3f: {  	_ =	shalt  }
0x40: {  	_ =	shalt  }
0x41: {  	_ =	shalt  }
0x42: {  	_ =	shalt  }
0x43: {  	_ =	shalt  }
0x44: {  	_ =	shalt  }
0x45: {  	_ =	shalt  }
0x46: {  	_ =	shalt  }
0x47: {  	_ =	shalt  }
0x48: {  	_ =	shalt  }
0x49: {  	_ =	shalt  }
0x4a: {  	_ =	shalt  }
0x4b: {  	_ =	shalt  }
0x4c: {  	_ =	shalt  }
0x4d: {  	_ =	shalt  }
0x4e: {  	_ =	shalt  }
0x4f: {  	_ =	shalt  }
0x50: {  	_ =	shalt  }
0x51: {  	_ =	shalt  }
0x52: {  	_ =	shalt  }
0x53: {  	_ =	shalt  }
0x54: {  	_ =	shalt  }
0x55: {  	_ =	shalt  }
0x56: {  	_ =	shalt  }
0x57: {  	_ =	shalt  }
0x58: {  	_ =	shalt  }
0x59: {  	_ =	shalt  }
0x5a: {  	_ =	shalt  }
0x5b: {  	_ =	shalt  }
0x5c: {  	_ =	shalt  }
0x5d: {  	_ =	shalt  }
0x5e: {  	_ =	shalt  }
0x5f: {  	_ =	shalt  }
0x60: {  	_ =	shalt  }
0x61: {  	_ =	shalt  }
0x62: {  	_ =	shalt  }
0x63: {  	_ =	shalt  }
0x64: {  	_ =	shalt  }
0x65: {  	_ =	shalt  }
0x66: {  	_ =	shalt  }
0x67: {  	_ =	shalt  }
0x68: {  	_ =	shalt  }
0x69: {  	_ =	shalt  }
0x6a: {  	_ =	shalt  }
0x6b: {  	_ =	shalt  }
0x6c: {  	_ =	shalt  }
0x6d: {  	_ =	shalt  }
0x6e: {  	_ =	shalt  }
0x6f: {  	_ =	shalt  }
0x70: {  	_ =	shalt  }
0x71: {  	_ =	shalt  }
0x72: {  	_ =	shalt  }
0x73: {  	_ =	shalt  }
0x74: {  	_ =	shalt  }
0x75: {  	_ =	shalt  }
0x76: {  	_ =	shalt  }
0x77: {  	_ =	shalt  }
0x78: {  	_ =	shalt  }
0x79: {  	_ =	shalt  }
0x7a: {  	_ =	shalt  }
0x7b: {  	_ =	shalt  }
0x7c: {  	_ =	shalt  }
0x7d: {  	_ =	shalt  }
0x7e: {  	_ =	shalt  }
0x7f: {  	_ =	shalt  }
0x80: {  	_ =	shalt  }
0x81: {  	_ =	shalt  }
0x82: {  	_ =	shalt  }
0x83: {  	_ =	shalt  }
0x84: {  	_ =	shalt  }
0x85: {  	_ =	shalt  }
0x86: {  	_ =	shalt  }
0x87: {  	_ =	shalt  }
.Lfunc_end0:
.L_simem_size_0:
called_computation_lowered:
.L_overlay_start_0:
0x88: {  	s2 =	sld [smem:$0x3FD9]  }
0x89: {  	s3 =	sld [smem:$0x3FFE];
	_ =	sdelay $0x1  }
0x8a: {  	s1 =	srdreg.scid  }
0x8b: {  	s0 =	sand.u32 $0x1, s1  }
0x8c: {  	s14 =	sshll.u32 s0, $0xA;
	s2 =	sadd.s32 s3, s2  }
0x8d: {  	s2 =	sadd.s32 s2, s14  }
0x8e: {  	[smem:$0x3FC6] =	sst s2  }
0x8f: {  	_ = 	snop  }
0x90: {  	s2 =	sld [smem:$0x3FD0];
	_ =	sdelay $0x2  }
0x91: {  	s15 =	simm.s32 $0xA;
	s4 =	simm.s32 $0x10  }
0x92: {  	[smem:s4], [sflag:s15] =	dma.local [hbm:s2], $0x1  }
0x93: {  	_ =	swait.eq [sflag:s15], $0x1  }
0x94: {  	[sflag:s15] =	ssyncset.done $0x0  }
0x95: {  	s16 =	sld [smem:$0x10];
	[sflag:s15] =	ssyncadd.s32 $0xFFFFFFFF  }
0x96: {  	s17 =	sld [smem:$0x11];
	(tm) =	ssettm $0x1  }
0x97: {  	s18 =	sld [smem:$0x3FFB];
	_ =	sdelay $0x3  }
0x98: {  	_ =	strace s18  }
0x99: {  	s4 =	sld [smem:$0x3FFC];
	_ =	sdelay $0x3  }
0x9a: {  	_ =	strace s4  }
0x9b: {  	s4 =	sld [smem:$0x3FFD];
	_ =	sdelay $0x3  }
0x9c: {  	_ =	strace s4  }
0x9d: {  	_ =	strace $0x8FFFFFFF  }
0x9e: {  	s19 =	sld [smem:$0x3FDB];
	_ =	sdelay $0x1  }
0x9f: {  	s5 =	simm.s32 $_scs_section_size  }
0xa0: {  	s6 =	simm.s32 $_size__tile_overlayer_lowered;
	s7 =	simm.s32 $_tile_overlayer_lowered  }
0xa1: {  	s22 =	simm.s32 $0x1BFF;
	s21 =	sshll.u32 s7, $0x1;
	s4 =	sadd.s32 s5, s19  }
0xa2: {  	s8 =	simm.s32 $0x0;
	s20 =	sshll.u32 s6, $0x1;
	s6 =	sadd.s32 s21, s4  }
0xa3: {  	[timem:s8], [sflag:s22] =	dma.local [hbm:s6], s20  }
0xa4: {  	_ =	swait.ge [sflag:s22], s20  }
0xa5: {  	s5 =	ssub.s32 $0x0, s20;
	[sflag:s22] =	ssyncset.done $0x0  }
0xa6: {  	[sflag:s22] =	ssyncadd.s32 s5;
	_ =	sdelay $0x1  }
0xa7: {  	s23 =	simm.s32 $0x1B8B  }
0xa8: {  	_ =	swait.ge [sflag:s23], $0x1  }
0xa9: {  	[sflag:s23] =	ssyncset.done $0x0  }
0xaa: {  	s25 =	simm.s32 $0x1B8E;
	s24 =	sld [smem:$0x3FFE];
	[sflag:s23] =	ssyncadd.s32 $0xFFFFFFFF  }
0xab: {  	s26 =	simm.s32 $execute0_lowered;
	[smem:$0x3FD2] =	sst s25  }
0xac: {  	s6 =	sshll.u32 s26, $0x1;
	_ =	strace $0x80000046;
	[dreg:$0x1] =	wrdreg $0xFFFFFFFF  }
0xad: {  	s28 =	simm.s32 $_size_execute0_lowered;
	s4 =	sadd.s32 s4, s6;
	[dreg:$0x0] =	wrdreg $0x0  }
0xae: {  	s6 =	sshll.u32 s28, $0x1;
	[dreg:$0x2] =	wrdreg s4  }
0xaf: {  	[dreg:$0x3] =	wrdreg s6  }
0xb0: {  	[dreg:$0x4] =	wrdreg $0xC0  }
0xb1: {  	_ =	task [dreg:s8], $0x5FFFF  }
0xb2: {  	[dreg:$0x1] =	wrdreg $0xFFFFFFFF  }
0xb3: {  	[dreg:$0x0] =	wrdreg $0x60  }
0xb4: {  	[dreg:$0x2] =	wrdreg s16  }
0xb5: {  	[dreg:$0x3] =	wrdreg s17  }
0xb6: {  	[dreg:$0x4] =	wrdreg s24  }
0xb7: {  	[dreg:$0x5] =	wrdreg $0x9  }
0xb8: {  	_ =	task.clear_ibuf [dreg:s8], $0x6FFFF;
	_ =	strace $0x90000046  }
0xb9: {  	s29 =	simm.s32 $0x9;
	_ =	strace $0x80000048  }
0xba: {  	_ =	swait.ge [sflag:s29], $0x1  }
0xbb: {  	[sflag:s29] =	ssyncadd.s32 $0xFFFFFFFF  }
0xbc: {  	_ =	strace $0x90000048  }
0xbd: {  	_ =	sfence  }
0xbe: {  	s30 =	sld [smem:$0x0];
	_ =	sdelay $0x2  }
0xbf: {  	s31 =	sshll.u32 s1, $0xD;
	s1 =	sshrl.u32 s1, $0x2  }
0xc0: {  	s3 =	sand.u32 $0x4000, s31;
	s1 =	sadd.s32 s1, s30  }
0xc1: {  	s0 =	sor.u32 s3, s0;
	s1 =	sshll.u32 s1, $0x11  }
0xc2: {  	s0 =	sor.u32 s1, s0  }
0xc3: {  	s0 =	sadd.s32 $0x8F2B, s0  }
0xc4: {  	[sflag:s0] =	ssyncadd.remote.s32 $0x1  }
0xc5: {  	_ =	sfence.sel $0xFFFF  }
0xc6: {  	[dreg:$0x0] =	wrdreg $0xFFFFFFFF;
	(pc) =	sbr.abs _section_cstart, $3  }
0xc7: {  	[dreg:$0x1] =	wrdreg $0xFFFFFFFF  }
0xc8: {  	_ =	task.clear_ibuf [dreg:s8], $0x2FFFF;
	_ =	strace $0x9FFFFFFF  }
0xc9: {  	(tm) =	ssettm $0x7FFFFFFF  }
tec
execute0_lowered:
.L_overlay_start_1:
0x0: {  	(tag) =	ssettag $0x1  }
0x1: {  	s1 =	rddreg [dreg:$0x0];
	s2 =	srdreg.scid  }
0x2: {  	s4 =	rddreg [dreg:$0x1];
	s0 =	stileid.u32;
	s18 =	sand.u32 $0x1, s2  }
0x3: {  	s10 =	rddreg [dreg:$0x2];
	s5 =	sshll.u32 s0, $0xB;
	s6 =	sshll.u32 s18, $0xA  }
0x4: {  	s3 =	simm.s32 $0x0;
	s2 =	rddreg [dreg:$0x3];
	s11 =	sor.u32 s6, s5  }
0x5: {  	[smem:$0x7FF] =	sst s3;
	s5 =	sshrl.u32 s11, $0x3  }
0x6: {  	_ =	strace $0x80000047;
	s4 =	sadd.s32 s4, s5;
	s5 =	simm.s32 $0x5  }
0x7: {  	[tilespmem:s3], [sflag:$0x5] =	stream.linear.gather [hbm4b:s4+s3], $0x400, $0x38;
	[tilespmem:$0x10400] =	vst v63  }
0x8: {  	_ =	swait.ge [sflag:s5], $0x400  }
0x9: {  	[sflag:s5] =	ssyncset.done $0x0  }
0xa: {  	s7 =	simm.s32 $0x400;
	s6 =	simm.s32 $0x100;
	[sflag:s5] =	ssyncadd.s32 $0xFFFFFC00  }
0xb: {  	[tilespmem:s7], [sflag:$0x1] =	stream.indirect.gather [hbm4b:s1+s6], $0x80, s3, s6, $0xb8;
	[tilespmem:$0x10400] =	vst v63  }
0xc: {  	s8 =	simm.s32 $0x8400;
	s9 =	simm.s32 $0x1  }
0xd: {  	[tilespmem:s8], [sflag:$0x2] =	stream.indirect.gather [hbm4b:s1+s6], $0x80, s6, s6, $0xb8;
	[tilespmem:$0x10400] =	vst v63  }
0xe: {  	s11 =	sshll.u32 s11, $0x4;
	_ =	swait.ge [sflag:s9], $0x8000  }
0xf: {  	s19 =	sadd.s32 s11, s10;
	[sflag:s9] =	ssyncset.done $0x0  }
0x10: {  	s11 =	simm.s32 $0x3;
	s10 =	sadd.s32 $0x400, s19;
	[sflag:s9] =	ssyncadd.s32 $0xFFFF8000  }
0x11: {  	[hbm4b:s10+s3] =	stream.linear.scatter [tilespmem:s7], [sflag:$0x3], $0x8000, $0x38;
	[tilespmem:$0x10400] =	vst v63  }
0x12: {  	_ =	swait.ge [sflag:s11], $0x8000  }
0x13: {  	[sflag:s11] =	ssyncset.done $0x0  }
0x14: {  	s12 =	simm.s32 $0x200;
	s13 =	simm.s32 $0x2;
	[sflag:s11] =	ssyncadd.s32 $0xFFFF8000  }
0x15: {  	[tilespmem:s7], [sflag:$0x1] =	stream.indirect.gather [hbm4b:s1+s6], $0x80, s12, s6, $0xb8;
	[tilespmem:$0x10400] =	vst v63  }
0x16: {  	_ =	swait.ge [sflag:s13], $0x8000  }
0x17: {  	[sflag:s13] =	ssyncset.done $0x0  }
0x18: {  	s14 =	simm.s32 $0x4;
	s15 =	sadd.s32 $0x1400, s19;
	[sflag:s13] =	ssyncadd.s32 $0xFFFF8000  }
0x19: {  	[hbm4b:s15+s3] =	stream.linear.scatter [tilespmem:s8], [sflag:$0x4], $0x8000, $0x38;
	[tilespmem:$0x10400] =	vst v63  }
0x1a: {  	_ =	swait.ge [sflag:s14], $0x8000  }
0x1b: {  	[sflag:s14] =	ssyncset.done $0x0  }
0x1c: {  	s16 =	simm.s32 $0x300;
	[sflag:s14] =	ssyncadd.s32 $0xFFFF8000  }
0x1d: {  	[tilespmem:s8], [sflag:$0x2] =	stream.indirect.gather [hbm4b:s1+s6], $0x80, s16, s6, $0xb8;
	[tilespmem:$0x10400] =	vst v63  }
0x1e: {  	_ =	swait.ge [sflag:s9], $0x8000  }
0x1f: {  	s20 =	ssub.s32 $0x2, s18;
	[sflag:s9] =	ssyncset.done $0x0  }
0x20: {  	s31 =	sshrl.u32 s20, $0x1;
	s17 =	sadd.s32 $0x2400, s19;
	[sflag:s9] =	ssyncadd.s32 $0xFFFF8000  }
0x21: {  	[hbm4b:s17+s3] =	stream.linear.scatter [tilespmem:s7], [sflag:$0x3], $0x8000, $0x38;
	[tilespmem:$0x10400] =	vst v63  }
0x22: {  	s18 =	sadd.s32 $0x3400, s19;
	s19 =	ssub.s32 s20, s31;
	_ =	swait.ge [sflag:s13], $0x8000  }
0x23: {  	s19 =	smax.u32 s19, $0x1;
	[sflag:s13] =	ssyncset.done $0x0  }
0x24: {  	p0 =	sne.s32 s19, $0x1;
	[sflag:s13] =	ssyncadd.s32 $0xFFFF8000  }
0x25: {  	[hbm4b:s18+s3] =	stream.linear.scatter [tilespmem:s8], [sflag:$0x4], $0x8000, $0x38;
	[tilespmem:$0x10400] =	vst v63  }
.Ltmp0:
0x26: {  	_ =	swait.ge [sflag:s11], $0x8000;
	(pc) =	sbr.rel @!p0 .LBB2_2-.Ltmp0, $4  }
0x27: {  	[sflag:s11] =	ssyncset.done $0x0  }
0x28: {  	[sflag:s11] =	ssyncadd.s32 $0xFFFF8000  }
0x29: {  	_ =	swait.ge [sflag:s14], $0x8000  }
0x2a: {  	s19 =	sadd.s32 $0xFFFFFFFF, s19;
	[sflag:s14] =	ssyncset.done $0x0  }
.LBB2_1:
0x2b: {  	p0 =	sne.s32 s19, $0x1;
	s19 =	sadd.s32 $0xFFFFFFFF, s19;
	[sflag:s14] =	ssyncadd.s32 $0xFFFF8000  }
0x2c: {  	[tilespmem:s3], [sflag:$0x5] =	stream.linear.gather [hbm4b:s4+s3], $0x400, $0x38;
	[tilespmem:$0x10400] =	vst v63  }
0x2d: {  	_ =	swait.ge [sflag:s5], $0x400  }
0x2e: {  	[sflag:s5] =	ssyncset.done $0x0  }
0x2f: {  	[sflag:s5] =	ssyncadd.s32 $0xFFFFFC00  }
0x30: {  	[tilespmem:s7], [sflag:$0x1] =	stream.indirect.gather [hbm4b:s1+s6], $0x80, s3, s6, $0xb8;
	[tilespmem:$0x10400] =	vst v63  }
0x31: {  	_ = 	snop  }
0x32: {  	[tilespmem:s8], [sflag:$0x2] =	stream.indirect.gather [hbm4b:s1+s6], $0x80, s6, s6, $0xb8;
	[tilespmem:$0x10400] =	vst v63  }
0x33: {  	_ =	swait.ge [sflag:s9], $0x8000  }
0x34: {  	[sflag:s9] =	ssyncset.done $0x0  }
0x35: {  	[sflag:s9] =	ssyncadd.s32 $0xFFFF8000  }
0x36: {  	[hbm4b:s10+s3] =	stream.linear.scatter [tilespmem:s7], [sflag:$0x3], $0x8000, $0x38;
	[tilespmem:$0x10400] =	vst v63  }
0x37: {  	_ =	swait.ge [sflag:s11], $0x8000  }
0x38: {  	[sflag:s11] =	ssyncset.done $0x0  }
0x39: {  	[sflag:s11] =	ssyncadd.s32 $0xFFFF8000  }
0x3a: {  	[tilespmem:s7], [sflag:$0x1] =	stream.indirect.gather [hbm4b:s1+s6], $0x80, s12, s6, $0xb8;
	[tilespmem:$0x10400] =	vst v63  }
0x3b: {  	_ =	swait.ge [sflag:s13], $0x8000  }
0x3c: {  	[sflag:s13] =	ssyncset.done $0x0  }
0x3d: {  	[sflag:s13] =	ssyncadd.s32 $0xFFFF8000  }
0x3e: {  	[hbm4b:s15+s3] =	stream.linear.scatter [tilespmem:s8], [sflag:$0x4], $0x8000, $0x38;
	[tilespmem:$0x10400] =	vst v63  }
0x3f: {  	_ =	swait.ge [sflag:s14], $0x8000  }
0x40: {  	[sflag:s14] =	ssyncset.done $0x0  }
0x41: {  	[sflag:s14] =	ssyncadd.s32 $0xFFFF8000  }
0x42: {  	[tilespmem:s8], [sflag:$0x2] =	stream.indirect.gather [hbm4b:s1+s6], $0x80, s16, s6, $0xb8;
	[tilespmem:$0x10400] =	vst v63  }
0x43: {  	_ =	swait.ge [sflag:s9], $0x8000  }
0x44: {  	[sflag:s9] =	ssyncset.done $0x0  }
0x45: {  	[sflag:s9] =	ssyncadd.s32 $0xFFFF8000  }
0x46: {  	[hbm4b:s17+s3] =	stream.linear.scatter [tilespmem:s7], [sflag:$0x3], $0x8000, $0x38;
	[tilespmem:$0x10400] =	vst v63  }
0x47: {  	_ =	swait.ge [sflag:s13], $0x8000  }
0x48: {  	[sflag:s13] =	ssyncset.done $0x0  }
0x49: {  	[sflag:s13] =	ssyncadd.s32 $0xFFFF8000  }
0x4a: {  	[hbm4b:s18+s3] =	stream.linear.scatter [tilespmem:s8], [sflag:$0x4], $0x8000, $0x38;
	[tilespmem:$0x10400] =	vst v63  }
.Ltmp1:
0x4b: {  	_ =	swait.ge [sflag:s11], $0x8000;
	(pc) =	sbr.rel @p0 .LBB2_1-.Ltmp1, $4  }
0x4c: {  	[sflag:s11] =	ssyncset.done $0x0  }
0x4d: {  	[sflag:s11] =	ssyncadd.s32 $0xFFFF8000  }
0x4e: {  	_ =	swait.ge [sflag:s14], $0x8000  }
0x4f: {  	[sflag:s14] =	ssyncset.done $0x0  }
.LBB2_2:
0x50: {  	[sflag:s14] =	ssyncadd.s32 $0xFFFF8000  }
0x51: {  	_ =	sfence.sel $0x180000  }
0x52: {  	[bflag:$0x0] =	sbarrier.arrive $0xFFFF  }
0x53: {  	p0 =	sne.s32 s0, $0x0;
	_ =	strace $0x90000047  }
0x54: {  	s0 =	sadd.s32 @!p0 $0x100000, s2;
	[bflag:$0x2] =	sbarrier.arrive $0xFFFF  }
0x55: {  	[sflag:s0] =	ssyncadd.tile.s32 @!p0 $0x1;
	_ =	shalt  }
.Lfunc_end2:
_tile_overlayer_lowered:
.L_overlay_start_2:
0x56: {  	(tag) =	ssettag $0x2  }
0x57: {  	s0 =	rddreg [dreg:$0x0];
	s2 =	stileid.u32  }
0x58: {  	s1 =	rddreg [dreg:$0x1];
	p0 =	sne.s32 s2, $0x0  }
0x59: {  	s3 =	rddreg [dreg:$0x2];
	[bflag:$0x3] =	sbarrier.arrive $0xFFFF;
	s2 =	simm.s32 @!p0 $0x1C05  }
0x5a: {  	[timem:s3], [sflag:s2] =	dma.local @!p0 [hbm:s0], s1  }
0x5b: {  	s0 =	simm.s32 @!p0 $0x5  }
0x5c: {  	_ =	swait.ge @!p0 [sflag:s0], s1  }
0x5d: {  	s1 =	ssub.s32 @!p0 $0x0, s1;
	[sflag:s0] =	ssyncset.done @!p0 $0x0  }
0x5e: {  	[sflag:s0] =	ssyncadd.s32 @!p0 s1  }
0x5f: {  	[bflag:$0x3] =	sbarrier.arrive $0xFFFF  }
0x60: {  	_ =	shalt  }

</sc_bundles>
